<compile_context>
chip_gen: v7x
topology: tpu7x:2x2x1
jax: 0.10.2.dev20260603
libtpu: 0.0.44.dev20260713+nightly
codegen_flags: <defaults>
</compile_context>

<pallas_src>
import functools

import jax
import jax.numpy as jnp
from jax import lax
from jax.experimental import pallas as pl
from jax.experimental.pallas import tpu as pltpu
from jax.experimental.pallas import tpu_sc as plsc

N_TOK = 10
_info = plsc.get_sparse_core_info()
_NC = _info.num_cores
_NS = _info.num_subcores
_NW = _NC * _NS


def _make_gather(nb, seq, d, t):
  mesh = plsc.VectorSubcoreMesh(core_axis_name="c", subcore_axis_name="s")
  iters = (nb + _NW - 1) // _NW
  g0 = 128
  g1 = seq - g0
  g1p = seq - N_TOK - g0

  @functools.partial(
      pl.kernel,
      mesh=mesh,
      out_type=jax.ShapeDtypeStruct((nb * seq, d), jnp.float32),
      scratch_types=[
          pltpu.VMEM((seq,), jnp.int32),
          pltpu.VMEM((seq,), jnp.int32),
          pltpu.VMEM((N_TOK + seq, d), jnp.float32),
          pltpu.VMEM((N_TOK + seq, d), jnp.float32),
          pltpu.SemaphoreType.DMA,
          pltpu.SemaphoreType.DMA,
          pltpu.SemaphoreType.DMA,
          pltpu.SemaphoreType.DMA,
          pltpu.SemaphoreType.DMA,
      ],
  )
  def k(idx_hbm, table_hbm, learned_hbm, out_hbm, ix0, ix1, rv0, rv1, sg,
        so0, so1, si0, si1):
    wid = lax.axis_index("s") * _NC + lax.axis_index("c")
    idx_v = (ix0, ix1)
    rows_v = (rv0, rv1)
    sem_o = (so0, so1)
    sem_i = (si0, si1)

    def b_of(i):
      raw = wid + i * _NW
      return jnp.where(raw < nb, raw, wid)

    def idx_copy(p, b):
      return pltpu.make_async_copy(
          idx_hbm.at[pl.ds(b * seq, seq)], idx_v[p], sem_i[p])

    def out_wait(p):
      pltpu.make_async_copy(
          rows_v[p].at[pl.ds(0, seq)],
          out_hbm.at[pl.ds(b_of(0) * seq, seq)], sem_o[p]).wait()

    def step(i, p, prime=False):
      b = b_of(i)
      base = b * seq
      idx_copy(p, b).wait()
      idx_copy(1 - p, b_of(i + 1)).start()
      if not prime:
        out_wait(p)

      @pl.when((b >= t) & (b < t + 2 * _NW))
      def _():
        pltpu.sync_copy(
            learned_hbm.at[pl.ds(0, 16)], rows_v[p].at[pl.ds(0, 16)])

      @pl.when((b >= 2 * t) & (b < 2 * t + 2 * _NW))
      def _():
        pltpu.sync_copy(
            learned_hbm.at[pl.ds(16, 16)], rows_v[p].at[pl.ds(0, 16)])

      @pl.when(b < t)
      def _():
        c0 = pltpu.async_copy(
            table_hbm.at[idx_v[p].at[pl.ds(0, g0)]],
            rows_v[p].at[pl.ds(N_TOK, g0)], sg)
        c1 = pltpu.async_copy(
            table_hbm.at[idx_v[p].at[pl.ds(g0, g1)]],
            rows_v[p].at[pl.ds(N_TOK + g0, g1)], sg)
        c0.wait()
        c1.wait()
        pltpu.make_async_copy(
            rows_v[p].at[pl.ds(N_TOK, seq)],
            out_hbm.at[pl.ds(base, seq)], sem_o[p]).start()

      @pl.when(b >= t)
      def _():
        c0 = pltpu.async_copy(
            table_hbm.at[idx_v[p].at[pl.ds(0, g0)]],
            rows_v[p].at[pl.ds(N_TOK, g0)], sg)
        c1 = pltpu.async_copy(
            table_hbm.at[idx_v[p].at[pl.ds(g0, g1p)]],
            rows_v[p].at[pl.ds(N_TOK + g0, g1p)], sg)
        c0.wait()
        c1.wait()
        pltpu.make_async_copy(
            rows_v[p].at[pl.ds(0, seq)],
            out_hbm.at[pl.ds(base, seq)], sem_o[p]).start()

    idx_copy(0, b_of(0)).start()
    step(0, 0, prime=True)
    step(1, 1, prime=True)

    def body(j, _):
      step(2 * j, 0)
      step(2 * j + 1, 1)
      return 0

    lax.fori_loop(1, iters // 2, body, 0)

    idx_copy(0, b_of(iters)).wait()
    out_wait(0)
    out_wait(1)

  return k


def kernel(bert_indices_add, wte, learned_embedding_1, learned_embedding_2):
  B, S = bert_indices_add.shape
  t = B // 3
  nb = 3 * t
  n_tok = learned_embedding_1.shape[0]
  d = wte.shape[1]
  idx = bert_indices_add.astype(jnp.int32)
  shifted = jnp.pad(idx[t:nb, : S - n_tok], ((0, 0), (0, n_tok)))
  flat_idx = jnp.concatenate([idx[:t], shifted], axis=0).reshape(-1)
  pad = jnp.zeros((16 - n_tok, d), jnp.float32)
  learned = jnp.concatenate(
      [learned_embedding_1, pad, learned_embedding_2, pad], axis=0)
  out = _make_gather(nb, S, d, t)(flat_idx, wte, learned)
  return out.reshape(nb, S, d)

# --- scband reference (transcript-rebuilt; emitter-appended) ---
"""Pipeline reference for scband-soft-embedding-10239202034261 (READ-ONLY COPY).

The authoritative reference and input builder live on the scoring server;
editing this copy changes nothing except your own understanding.
"""

import jax, jax.numpy as jnp
import numpy as np

N_TOKENS = 10
VOCAB = 100000
EMBED_DIM = 128
BATCH = 1024
SEQ = 200

def setup_inputs(seed: int = 0) -> dict:
    key = jax.random.key(seed)
    k1, k2, k3, k4 = jax.random.split(key, 4)
    bert_indices_add = jax.random.randint(k1, (BATCH, SEQ), 0, VOCAB, dtype=jnp.int64 if jax.config.jax_enable_x64 else jnp.int32)
    wte = jax.random.normal(k2, (VOCAB, EMBED_DIM), dtype=jnp.float32) * 0.02
    # learned_embedding_1 initialized from vocab (first n_tokens rows of wte)
    learned_embedding_1 = wte[:N_TOKENS]
    # learned_embedding_2 initialized uniform(-0.5, 0.5)
    learned_embedding_2 = jax.random.uniform(k3, (N_TOKENS, EMBED_DIM), dtype=jnp.float32, minval=-0.5, maxval=0.5)
    return {"bert_indices_add": bert_indices_add, "wte": wte, "learned_embedding_1": learned_embedding_1, "learned_embedding_2": learned_embedding_2}


def reference(bert_indices_add, wte, learned_embedding_1, learned_embedding_2):
    # Faithful translation of SoftEmbedding.forward in training mode (nn.Module default)
    B = bert_indices_add.shape[0]
    t = B // 3
    n_tokens = N_TOKENS
    d = wte.shape[1]
    # first third: plain embedding lookup over full sequence
    input_embedding = jnp.take(wte, bert_indices_add[:t, :], axis=0)
    # second third: lookup over truncated sequence, prepend learned_embedding_1
    input_embedding_1 = jnp.take(wte, bert_indices_add[t:2 * t, :-n_tokens], axis=0)
    learned_1 = jnp.broadcast_to(learned_embedding_1[None, :, :], (input_embedding_1.shape[0], n_tokens, d))
    prompt_embedding_1 = jnp.concatenate([learned_1, input_embedding_1], axis=1)
    # last third: lookup over truncated sequence, prepend learned_embedding_2
    input_embedding_2 = jnp.take(wte, bert_indices_add[2 * t:3 * t, :-n_tokens], axis=0)
    learned_2 = jnp.broadcast_to(learned_embedding_2[None, :, :], (input_embedding_2.shape[0], n_tokens, d))
    prompt_embedding_2 = jnp.concatenate([learned_2, input_embedding_2], axis=1)
    return jnp.concatenate([input_embedding, prompt_embedding_1, prompt_embedding_2], axis=0)

if __name__ == "__main__":
    import jax
    _d = setup_inputs()
    print(jax.jit(kernel)(*tuple(_d.values())))

</pallas_src>

<mosaic_0001>
#map = affine_map<(d0, d1) -> (0)>
#map1 = affine_map<(d0, d1) -> (0, 0)>
module attributes {stable_mosaic.version = 14 : i64} {
  func.func @k(%arg0: i32, %arg1: i32, %arg2: memref<204600xi32, #tpu.memory_space<hbm>>, %arg3: memref<100000x128xf32, #tpu.memory_space<hbm>>, %arg4: memref<32x128xf32, #tpu.memory_space<hbm>>, %arg5: memref<204600x128xf32, #tpu.memory_space<hbm>>, %arg6: memref<200xi32, #tpu.memory_space<vmem>>, %arg7: memref<200xi32, #tpu.memory_space<vmem>>, %arg8: memref<210x128xf32, #tpu.memory_space<vmem>>, %arg9: memref<210x128xf32, #tpu.memory_space<vmem>>, %arg10: memref<!tpu.dma_semaphore, #tpu.memory_space<semaphore_mem>>, %arg11: memref<!tpu.dma_semaphore, #tpu.memory_space<semaphore_mem>>, %arg12: memref<!tpu.dma_semaphore, #tpu.memory_space<semaphore_mem>>, %arg13: memref<!tpu.dma_semaphore, #tpu.memory_space<semaphore_mem>>, %arg14: memref<!tpu.dma_semaphore, #tpu.memory_space<semaphore_mem>>) attributes {dimension_semantics = [#tpu.dimension_semantics<core_parallel>, #tpu.dimension_semantics<subcore_parallel>], iteration_bounds = array<i64: 2, 16>, scalar_prefetch = 0 : i64, scratch_operands = 9 : i64, tpu.core_type = #tpu.core_type<sc_vector_subcore>, window_params = [{transform_indices = #map}, {transform_indices = #map1}, {transform_indices = #map1}, {transform_indices = #map1}]} {
    %mul3A = arith.constant 2 : i32
    %mul3A_0 = arith.muli %arg1, %mul3A : i32
    %add3A = arith.addi %mul3A_0, %arg0 : i32
    %add3A_1 = arith.constant 0 : i32
    %add3A_2 = arith.addi %add3A, %add3A_1 : i32
    %lt3A = arith.constant 1023 : i32
    %lt3A_3 = arith.cmpi slt, %add3A_2, %lt3A : i32
    %select_n3A = arith.select %lt3A_3, %add3A_2, %add3A : i32
    %mul3A_4 = arith.constant 200 : i32
    %mul3A_5 = arith.muli %select_n3A, %mul3A_4 : i32
    %dma_start3A = tpu.memref_slice %arg2[%mul3A_5] : memref<204600xi32, #tpu.memory_space<hbm>> -> memref<200xi32, #tpu.memory_space<hbm>>
    %dma_start3A_6 = tpu.memref_slice %arg2[%mul3A_5] : memref<204600xi32, #tpu.memory_space<hbm>> -> memref<200xi32, #tpu.memory_space<hbm>>
    tpu.enqueue_dma source(%dma_start3A_6 : memref<200xi32, #tpu.memory_space<hbm>>) target(%arg6 : memref<200xi32, #tpu.memory_space<vmem>>) target_semaphore(%arg13 : memref<!tpu.dma_semaphore, #tpu.memory_space<semaphore_mem>>)
    %add3A_7 = arith.constant 0 : i32
    %add3A_8 = arith.addi %add3A, %add3A_7 : i32
    %lt3A_9 = arith.constant 1023 : i32
    %lt3A_10 = arith.cmpi slt, %add3A_8, %lt3A_9 : i32
    %select_n3A_11 = arith.select %lt3A_10, %add3A_8, %add3A : i32
    %mul3A_12 = arith.constant 200 : i32
    %mul3A_13 = arith.muli %select_n3A_11, %mul3A_12 : i32
    %mul3A_14 = arith.constant 200 : i32
    %mul3A_15 = arith.muli %select_n3A_11, %mul3A_14 : i32
    %dma_wait3A = tpu.memref_slice %arg2[%mul3A_15] : memref<204600xi32, #tpu.memory_space<hbm>> -> memref<200xi32, #tpu.memory_space<hbm>>
    %dma_wait3A_16 = tpu.memref_slice %arg2[%mul3A_15] : memref<204600xi32, #tpu.memory_space<hbm>> -> memref<200xi32, #tpu.memory_space<hbm>>
    tpu.wait_dma2 semaphore(%arg13 : memref<!tpu.dma_semaphore, #tpu.memory_space<semaphore_mem>>) src(%dma_wait3A_16 : memref<200xi32, #tpu.memory_space<hbm>>) dst(%arg6 : memref<200xi32, #tpu.memory_space<vmem>>)
    %add3A_17 = arith.constant 32 : i32
    %add3A_18 = arith.addi %add3A, %add3A_17 : i32
    %lt3A_19 = arith.constant 1023 : i32
    %lt3A_20 = arith.cmpi slt, %add3A_18, %lt3A_19 : i32
    %select_n3A_21 = arith.select %lt3A_20, %add3A_18, %add3A : i32
    %mul3A_22 = arith.constant 200 : i32
    %mul3A_23 = arith.muli %select_n3A_21, %mul3A_22 : i32
    %dma_start3A_24 = tpu.memref_slice %arg2[%mul3A_23] : memref<204600xi32, #tpu.memory_space<hbm>> -> memref<200xi32, #tpu.memory_space<hbm>>
    %dma_start3A_25 = tpu.memref_slice %arg2[%mul3A_23] : memref<204600xi32, #tpu.memory_space<hbm>> -> memref<200xi32, #tpu.memory_space<hbm>>
    tpu.enqueue_dma source(%dma_start3A_25 : memref<200xi32, #tpu.memory_space<hbm>>) target(%arg7 : memref<200xi32, #tpu.memory_space<vmem>>) target_semaphore(%arg14 : memref<!tpu.dma_semaphore, #tpu.memory_space<semaphore_mem>>)
    %ge3A = arith.constant 341 : i32
    %ge3A_26 = arith.cmpi sge, %select_n3A_11, %ge3A : i32
    %lt3A_27 = arith.constant 405 : i32
    %lt3A_28 = arith.cmpi slt, %select_n3A_11, %lt3A_27 : i32
    %and3A = arith.andi %ge3A_26, %lt3A_28 : i1
    %convert_element_type3A = arith.extui %and3A : i1 to i32
    %cond3A = arith.constant 0 : i32
    %cond3A_29 = arith.cmpi ne, %convert_element_type3A, %cond3A : i32
    scf.if %cond3A_29 {
      "tpu.region"() ({
        %run_scoped3A = tpu.sem_alloc : memref<!tpu.dma_semaphore, #tpu.memory_space<semaphore_mem>>
        %dma_start3A_143 = arith.constant 0 : i32
        %dma_start3A_144 = arith.constant 0 : i32
        %dma_start3A_145 = tpu.memref_slice %arg8[%dma_start3A_143, %dma_start3A_144] : memref<210x128xf32, #tpu.memory_space<vmem>> -> memref<16x128xf32, #tpu.memory_space<vmem>>
        %dma_start3A_146 = arith.constant 0 : i32
        %dma_start3A_147 = arith.constant 0 : i32
        %dma_start3A_148 = tpu.memref_slice %arg4[%dma_start3A_146, %dma_start3A_147] : memref<32x128xf32, #tpu.memory_space<hbm>> -> memref<16x128xf32, #tpu.memory_space<hbm>>
        %dma_start3A_149 = arith.constant 0 : i32
        %dma_start3A_150 = arith.constant 0 : i32
        %dma_start3A_151 = tpu.memref_slice %arg8[%dma_start3A_149, %dma_start3A_150] : memref<210x128xf32, #tpu.memory_space<vmem>> -> memref<16x128xf32, #tpu.memory_space<vmem>>
        %dma_start3A_152 = arith.constant 0 : i32
        %dma_start3A_153 = arith.constant 0 : i32
        %dma_start3A_154 = tpu.memref_slice %arg4[%dma_start3A_152, %dma_start3A_153] : memref<32x128xf32, #tpu.memory_space<hbm>> -> memref<16x128xf32, #tpu.memory_space<hbm>>
        tpu.enqueue_dma source(%dma_start3A_154 : memref<16x128xf32, #tpu.memory_space<hbm>>) target(%dma_start3A_151 : memref<16x128xf32, #tpu.memory_space<vmem>>) target_semaphore(%run_scoped3A : memref<!tpu.dma_semaphore, #tpu.memory_space<semaphore_mem>>)
        %dma_wait3A_155 = arith.constant 0 : i32
        %dma_wait3A_156 = arith.constant 0 : i32
        %dma_wait3A_157 = tpu.memref_slice %arg8[%dma_wait3A_155, %dma_wait3A_156] : memref<210x128xf32, #tpu.memory_space<vmem>> -> memref<16x128xf32, #tpu.memory_space<vmem>>
        %dma_wait3A_158 = arith.constant 0 : i32
        %dma_wait3A_159 = arith.constant 0 : i32
        %dma_wait3A_160 = tpu.memref_slice %arg4[%dma_wait3A_158, %dma_wait3A_159] : memref<32x128xf32, #tpu.memory_space<hbm>> -> memref<16x128xf32, #tpu.memory_space<hbm>>
        %dma_wait3A_161 = arith.constant 0 : i32
        %dma_wait3A_162 = arith.constant 0 : i32
        %dma_wait3A_163 = tpu.memref_slice %arg8[%dma_wait3A_161, %dma_wait3A_162] : memref<210x128xf32, #tpu.memory_space<vmem>> -> memref<16x128xf32, #tpu.memory_space<vmem>>
        %dma_wait3A_164 = arith.constant 0 : i32
        %dma_wait3A_165 = arith.constant 0 : i32
        %dma_wait3A_166 = tpu.memref_slice %arg4[%dma_wait3A_164, %dma_wait3A_165] : memref<32x128xf32, #tpu.memory_space<hbm>> -> memref<16x128xf32, #tpu.memory_space<hbm>>
        tpu.wait_dma2 semaphore(%run_scoped3A : memref<!tpu.dma_semaphore, #tpu.memory_space<semaphore_mem>>) src(%dma_wait3A_166 : memref<16x128xf32, #tpu.memory_space<hbm>>) dst(%dma_wait3A_163 : memref<16x128xf32, #tpu.memory_space<vmem>>)
        tpu.yield
      }) : () -> ()
    } else {
    }
    %ge3A_30 = arith.constant 682 : i32
    %ge3A_31 = arith.cmpi sge, %select_n3A_11, %ge3A_30 : i32
    %lt3A_32 = arith.constant 746 : i32
    %lt3A_33 = arith.cmpi slt, %select_n3A_11, %lt3A_32 : i32
    %and3A_34 = arith.andi %ge3A_31, %lt3A_33 : i1
    %convert_element_type3A_35 = arith.extui %and3A_34 : i1 to i32
    %cond3A_36 = arith.constant 0 : i32
    %cond3A_37 = arith.cmpi ne, %convert_element_type3A_35, %cond3A_36 : i32
    scf.if %cond3A_37 {
      "tpu.region"() ({
        %run_scoped3A = tpu.sem_alloc : memref<!tpu.dma_semaphore, #tpu.memory_space<semaphore_mem>>
        %dma_start3A_143 = arith.constant 0 : i32
        %dma_start3A_144 = arith.constant 0 : i32
        %dma_start3A_145 = tpu.memref_slice %arg8[%dma_start3A_143, %dma_start3A_144] : memref<210x128xf32, #tpu.memory_space<vmem>> -> memref<16x128xf32, #tpu.memory_space<vmem>>
        %dma_start3A_146 = arith.constant 16 : i32
        %dma_start3A_147 = arith.constant 0 : i32
        %dma_start3A_148 = tpu.memref_slice %arg4[%dma_start3A_146, %dma_start3A_147] : memref<32x128xf32, #tpu.memory_space<hbm>> -> memref<16x128xf32, #tpu.memory_space<hbm>>
        %dma_start3A_149 = arith.constant 0 : i32
        %dma_start3A_150 = arith.constant 0 : i32
        %dma_start3A_151 = tpu.memref_slice %arg8[%dma_start3A_149, %dma_start3A_150] : memref<210x128xf32, #tpu.memory_space<vmem>> -> memref<16x128xf32, #tpu.memory_space<vmem>>
        %dma_start3A_152 = arith.constant 16 : i32
        %dma_start3A_153 = arith.constant 0 : i32
        %dma_start3A_154 = tpu.memref_slice %arg4[%dma_start3A_152, %dma_start3A_153] : memref<32x128xf32, #tpu.memory_space<hbm>> -> memref<16x128xf32, #tpu.memory_space<hbm>>
        tpu.enqueue_dma source(%dma_start3A_154 : memref<16x128xf32, #tpu.memory_space<hbm>>) target(%dma_start3A_151 : memref<16x128xf32, #tpu.memory_space<vmem>>) target_semaphore(%run_scoped3A : memref<!tpu.dma_semaphore, #tpu.memory_space<semaphore_mem>>)
        %dma_wait3A_155 = arith.constant 0 : i32
        %dma_wait3A_156 = arith.constant 0 : i32
        %dma_wait3A_157 = tpu.memref_slice %arg8[%dma_wait3A_155, %dma_wait3A_156] : memref<210x128xf32, #tpu.memory_space<vmem>> -> memref<16x128xf32, #tpu.memory_space<vmem>>
        %dma_wait3A_158 = arith.constant 16 : i32
        %dma_wait3A_159 = arith.constant 0 : i32
        %dma_wait3A_160 = tpu.memref_slice %arg4[%dma_wait3A_158, %dma_wait3A_159] : memref<32x128xf32, #tpu.memory_space<hbm>> -> memref<16x128xf32, #tpu.memory_space<hbm>>
        %dma_wait3A_161 = arith.constant 0 : i32
        %dma_wait3A_162 = arith.constant 0 : i32
        %dma_wait3A_163 = tpu.memref_slice %arg8[%dma_wait3A_161, %dma_wait3A_162] : memref<210x128xf32, #tpu.memory_space<vmem>> -> memref<16x128xf32, #tpu.memory_space<vmem>>
        %dma_wait3A_164 = arith.constant 16 : i32
        %dma_wait3A_165 = arith.constant 0 : i32
        %dma_wait3A_166 = tpu.memref_slice %arg4[%dma_wait3A_164, %dma_wait3A_165] : memref<32x128xf32, #tpu.memory_space<hbm>> -> memref<16x128xf32, #tpu.memory_space<hbm>>
        tpu.wait_dma2 semaphore(%run_scoped3A : memref<!tpu.dma_semaphore, #tpu.memory_space<semaphore_mem>>) src(%dma_wait3A_166 : memref<16x128xf32, #tpu.memory_space<hbm>>) dst(%dma_wait3A_163 : memref<16x128xf32, #tpu.memory_space<vmem>>)
        tpu.yield
      }) : () -> ()
    } else {
    }
    %lt3A_38 = arith.constant 341 : i32
    %lt3A_39 = arith.cmpi slt, %select_n3A_11, %lt3A_38 : i32
    %convert_element_type3A_40 = arith.extui %lt3A_39 : i1 to i32
    %cond3A_41 = arith.constant 0 : i32
    %cond3A_42 = arith.cmpi ne, %convert_element_type3A_40, %cond3A_41 : i32
    scf.if %cond3A_42 {
      %dma_start3A_143 = arith.constant 10 : i32
      %dma_start3A_144 = arith.constant 0 : i32
      %dma_start3A_145 = tpu.memref_slice %arg8[%dma_start3A_143, %dma_start3A_144] : memref<210x128xf32, #tpu.memory_space<vmem>> -> memref<128x128xf32, #tpu.memory_space<vmem>>
      %dma_start3A_146 = arith.constant 0 : i32
      %dma_start3A_147 = tpu.memref_slice %arg6[%dma_start3A_146] : memref<200xi32, #tpu.memory_space<vmem>> -> memref<128xi32, #tpu.memory_space<vmem>>
      %dma_start3A_148 = arith.constant 0 : i32
      %dma_start3A_149 = arith.constant 0 : i32
      %dma_start3A_150 = tpu.memref_slice %arg3[%dma_start3A_148, %dma_start3A_149] : memref<100000x128xf32, #tpu.memory_space<hbm>> -> memref<100000x128xf32, #tpu.memory_space<hbm>>
      tpu.enqueue_indirect_dma source(%dma_start3A_150 : memref<100000x128xf32, #tpu.memory_space<hbm>>) target(%dma_start3A_145 : memref<128x128xf32, #tpu.memory_space<vmem>>) offsets(%dma_start3A_147 : memref<128xi32, #tpu.memory_space<vmem>>) semaphore(%arg10 : memref<!tpu.dma_semaphore, #tpu.memory_space<semaphore_mem>>)
      %dma_start3A_151 = arith.constant 138 : i32
      %dma_start3A_152 = arith.constant 0 : i32
      %dma_start3A_153 = tpu.memref_slice %arg8[%dma_start3A_151, %dma_start3A_152] : memref<210x128xf32, #tpu.memory_space<vmem>> -> memref<72x128xf32, #tpu.memory_space<vmem>>
      %dma_start3A_154 = arith.constant 128 : i32
      %dma_start3A_155 = tpu.memref_slice %arg6[%dma_start3A_154] : memref<200xi32, #tpu.memory_space<vmem>> -> memref<72xi32, #tpu.memory_space<vmem>>
      %dma_start3A_156 = arith.constant 0 : i32
      %dma_start3A_157 = arith.constant 0 : i32
      %dma_start3A_158 = tpu.memref_slice %arg3[%dma_start3A_156, %dma_start3A_157] : memref<100000x128xf32, #tpu.memory_space<hbm>> -> memref<100000x128xf32, #tpu.memory_space<hbm>>
      tpu.enqueue_indirect_dma source(%dma_start3A_158 : memref<100000x128xf32, #tpu.memory_space<hbm>>) target(%dma_start3A_153 : memref<72x128xf32, #tpu.memory_space<vmem>>) offsets(%dma_start3A_155 : memref<72xi32, #tpu.memory_space<vmem>>) semaphore(%arg10 : memref<!tpu.dma_semaphore, #tpu.memory_space<semaphore_mem>>)
      %dma_wait3A_159 = arith.constant 10 : i32
      %dma_wait3A_160 = arith.constant 0 : i32
      %dma_wait3A_161 = tpu.memref_slice %arg8[%dma_wait3A_159, %dma_wait3A_160] : memref<210x128xf32, #tpu.memory_space<vmem>> -> memref<128x128xf32, #tpu.memory_space<vmem>>
      %dma_wait3A_162 = arith.constant 0 : i32
      %dma_wait3A_163 = tpu.memref_slice %arg6[%dma_wait3A_162] : memref<200xi32, #tpu.memory_space<vmem>> -> memref<128xi32, #tpu.memory_space<vmem>>
      %dma_wait3A_164 = arith.constant 0 : i32
      %dma_wait3A_165 = arith.constant 0 : i32
      %dma_wait3A_166 = tpu.memref_slice %arg3[%dma_wait3A_164, %dma_wait3A_165] : memref<100000x128xf32, #tpu.memory_space<hbm>> -> memref<100000x128xf32, #tpu.memory_space<hbm>>
      tpu.wait_indirect_dma semaphore(%arg10 : memref<!tpu.dma_semaphore, #tpu.memory_space<semaphore_mem>>) src(%dma_wait3A_166 : memref<100000x128xf32, #tpu.memory_space<hbm>>) dst(%dma_wait3A_161 : memref<128x128xf32, #tpu.memory_space<vmem>>)
      %dma_wait3A_167 = arith.constant 138 : i32
      %dma_wait3A_168 = arith.constant 0 : i32
      %dma_wait3A_169 = tpu.memref_slice %arg8[%dma_wait3A_167, %dma_wait3A_168] : memref<210x128xf32, #tpu.memory_space<vmem>> -> memref<72x128xf32, #tpu.memory_space<vmem>>
      %dma_wait3A_170 = arith.constant 128 : i32
      %dma_wait3A_171 = tpu.memref_slice %arg6[%dma_wait3A_170] : memref<200xi32, #tpu.memory_space<vmem>> -> memref<72xi32, #tpu.memory_space<vmem>>
      %dma_wait3A_172 = arith.constant 0 : i32
      %dma_wait3A_173 = arith.constant 0 : i32
      %dma_wait3A_174 = tpu.memref_slice %arg3[%dma_wait3A_172, %dma_wait3A_173] : memref<100000x128xf32, #tpu.memory_space<hbm>> -> memref<100000x128xf32, #tpu.memory_space<hbm>>
      tpu.wait_indirect_dma semaphore(%arg10 : memref<!tpu.dma_semaphore, #tpu.memory_space<semaphore_mem>>) src(%dma_wait3A_174 : memref<100000x128xf32, #tpu.memory_space<hbm>>) dst(%dma_wait3A_169 : memref<72x128xf32, #tpu.memory_space<vmem>>)
      %dma_start3A_175 = arith.constant 10 : i32
      %dma_start3A_176 = arith.constant 0 : i32
      %dma_start3A_177 = tpu.memref_slice %arg8[%dma_start3A_175, %dma_start3A_176] : memref<210x128xf32, #tpu.memory_space<vmem>> -> memref<200x128xf32, #tpu.memory_space<vmem>>
      %dma_start3A_178 = arith.constant 0 : i32
      %dma_start3A_179 = tpu.memref_slice %arg5[%mul3A_13, %dma_start3A_178] : memref<204600x128xf32, #tpu.memory_space<hbm>> -> memref<200x128xf32, #tpu.memory_space<hbm>>
      %dma_start3A_180 = arith.constant 0 : i32
      %dma_start3A_181 = tpu.memref_slice %arg5[%mul3A_13, %dma_start3A_180] : memref<204600x128xf32, #tpu.memory_space<hbm>> -> memref<200x128xf32, #tpu.memory_space<hbm>>
      %dma_start3A_182 = arith.constant 10 : i32
      %dma_start3A_183 = arith.constant 0 : i32
      %dma_start3A_184 = tpu.memref_slice %arg8[%dma_start3A_182, %dma_start3A_183] : memref<210x128xf32, #tpu.memory_space<vmem>> -> memref<200x128xf32, #tpu.memory_space<vmem>>
      tpu.enqueue_dma source(%dma_start3A_184 : memref<200x128xf32, #tpu.memory_space<vmem>>) target(%dma_start3A_181 : memref<200x128xf32, #tpu.memory_space<hbm>>) target_semaphore(%arg11 : memref<!tpu.dma_semaphore, #tpu.memory_space<semaphore_mem>>)
    } else {
    }
    %ge3A_43 = arith.constant 341 : i32
    %ge3A_44 = arith.cmpi sge, %select_n3A_11, %ge3A_43 : i32
    %convert_element_type3A_45 = arith.extui %ge3A_44 : i1 to i32
    %cond3A_46 = arith.constant 0 : i32
    %cond3A_47 = arith.cmpi ne, %convert_element_type3A_45, %cond3A_46 : i32
    scf.if %cond3A_47 {
      %dma_start3A_143 = arith.constant 10 : i32
      %dma_start3A_144 = arith.constant 0 : i32
      %dma_start3A_145 = tpu.memref_slice %arg8[%dma_start3A_143, %dma_start3A_144] : memref<210x128xf32, #tpu.memory_space<vmem>> -> memref<128x128xf32, #tpu.memory_space<vmem>>
      %dma_start3A_146 = arith.constant 0 : i32
      %dma_start3A_147 = tpu.memref_slice %arg6[%dma_start3A_146] : memref<200xi32, #tpu.memory_space<vmem>> -> memref<128xi32, #tpu.memory_space<vmem>>
      %dma_start3A_148 = arith.constant 0 : i32
      %dma_start3A_149 = arith.constant 0 : i32
      %dma_start3A_150 = tpu.memref_slice %arg3[%dma_start3A_148, %dma_start3A_149] : memref<100000x128xf32, #tpu.memory_space<hbm>> -> memref<100000x128xf32, #tpu.memory_space<hbm>>
      tpu.enqueue_indirect_dma source(%dma_start3A_150 : memref<100000x128xf32, #tpu.memory_space<hbm>>) target(%dma_start3A_145 : memref<128x128xf32, #tpu.memory_space<vmem>>) offsets(%dma_start3A_147 : memref<128xi32, #tpu.memory_space<vmem>>) semaphore(%arg10 : memref<!tpu.dma_semaphore, #tpu.memory_space<semaphore_mem>>)
      %dma_start3A_151 = arith.constant 138 : i32
      %dma_start3A_152 = arith.constant 0 : i32
      %dma_start3A_153 = tpu.memref_slice %arg8[%dma_start3A_151, %dma_start3A_152] : memref<210x128xf32, #tpu.memory_space<vmem>> -> memref<62x128xf32, #tpu.memory_space<vmem>>
      %dma_start3A_154 = arith.constant 128 : i32
      %dma_start3A_155 = tpu.memref_slice %arg6[%dma_start3A_154] : memref<200xi32, #tpu.memory_space<vmem>> -> memref<62xi32, #tpu.memory_space<vmem>>
      %dma_start3A_156 = arith.constant 0 : i32
      %dma_start3A_157 = arith.constant 0 : i32
      %dma_start3A_158 = tpu.memref_slice %arg3[%dma_start3A_156, %dma_start3A_157] : memref<100000x128xf32, #tpu.memory_space<hbm>> -> memref<100000x128xf32, #tpu.memory_space<hbm>>
      tpu.enqueue_indirect_dma source(%dma_start3A_158 : memref<100000x128xf32, #tpu.memory_space<hbm>>) target(%dma_start3A_153 : memref<62x128xf32, #tpu.memory_space<vmem>>) offsets(%dma_start3A_155 : memref<62xi32, #tpu.memory_space<vmem>>) semaphore(%arg10 : memref<!tpu.dma_semaphore, #tpu.memory_space<semaphore_mem>>)
      %dma_wait3A_159 = arith.constant 10 : i32
      %dma_wait3A_160 = arith.constant 0 : i32
      %dma_wait3A_161 = tpu.memref_slice %arg8[%dma_wait3A_159, %dma_wait3A_160] : memref<210x128xf32, #tpu.memory_space<vmem>> -> memref<128x128xf32, #tpu.memory_space<vmem>>
      %dma_wait3A_162 = arith.constant 0 : i32
      %dma_wait3A_163 = tpu.memref_slice %arg6[%dma_wait3A_162] : memref<200xi32, #tpu.memory_space<vmem>> -> memref<128xi32, #tpu.memory_space<vmem>>
      %dma_wait3A_164 = arith.constant 0 : i32
      %dma_wait3A_165 = arith.constant 0 : i32
      %dma_wait3A_166 = tpu.memref_slice %arg3[%dma_wait3A_164, %dma_wait3A_165] : memref<100000x128xf32, #tpu.memory_space<hbm>> -> memref<100000x128xf32, #tpu.memory_space<hbm>>
      tpu.wait_indirect_dma semaphore(%arg10 : memref<!tpu.dma_semaphore, #tpu.memory_space<semaphore_mem>>) src(%dma_wait3A_166 : memref<100000x128xf32, #tpu.memory_space<hbm>>) dst(%dma_wait3A_161 : memref<128x128xf32, #tpu.memory_space<vmem>>)
      %dma_wait3A_167 = arith.constant 138 : i32
      %dma_wait3A_168 = arith.constant 0 : i32
      %dma_wait3A_169 = tpu.memref_slice %arg8[%dma_wait3A_167, %dma_wait3A_168] : memref<210x128xf32, #tpu.memory_space<vmem>> -> memref<62x128xf32, #tpu.memory_space<vmem>>
      %dma_wait3A_170 = arith.constant 128 : i32
      %dma_wait3A_171 = tpu.memref_slice %arg6[%dma_wait3A_170] : memref<200xi32, #tpu.memory_space<vmem>> -> memref<62xi32, #tpu.memory_space<vmem>>
      %dma_wait3A_172 = arith.constant 0 : i32
      %dma_wait3A_173 = arith.constant 0 : i32
      %dma_wait3A_174 = tpu.memref_slice %arg3[%dma_wait3A_172, %dma_wait3A_173] : memref<100000x128xf32, #tpu.memory_space<hbm>> -> memref<100000x128xf32, #tpu.memory_space<hbm>>
      tpu.wait_indirect_dma semaphore(%arg10 : memref<!tpu.dma_semaphore, #tpu.memory_space<semaphore_mem>>) src(%dma_wait3A_174 : memref<100000x128xf32, #tpu.memory_space<hbm>>) dst(%dma_wait3A_169 : memref<62x128xf32, #tpu.memory_space<vmem>>)
      %dma_start3A_175 = arith.constant 0 : i32
      %dma_start3A_176 = arith.constant 0 : i32
      %dma_start3A_177 = tpu.memref_slice %arg8[%dma_start3A_175, %dma_start3A_176] : memref<210x128xf32, #tpu.memory_space<vmem>> -> memref<200x128xf32, #tpu.memory_space<vmem>>
      %dma_start3A_178 = arith.constant 0 : i32
      %dma_start3A_179 = tpu.memref_slice %arg5[%mul3A_13, %dma_start3A_178] : memref<204600x128xf32, #tpu.memory_space<hbm>> -> memref<200x128xf32, #tpu.memory_space<hbm>>
      %dma_start3A_180 = arith.constant 0 : i32
      %dma_start3A_181 = tpu.memref_slice %arg5[%mul3A_13, %dma_start3A_180] : memref<204600x128xf32, #tpu.memory_space<hbm>> -> memref<200x128xf32, #tpu.memory_space<hbm>>
      %dma_start3A_182 = arith.constant 0 : i32
      %dma_start3A_183 = arith.constant 0 : i32
      %dma_start3A_184 = tpu.memref_slice %arg8[%dma_start3A_182, %dma_start3A_183] : memref<210x128xf32, #tpu.memory_space<vmem>> -> memref<200x128xf32, #tpu.memory_space<vmem>>
      tpu.enqueue_dma source(%dma_start3A_184 : memref<200x128xf32, #tpu.memory_space<vmem>>) target(%dma_start3A_181 : memref<200x128xf32, #tpu.memory_space<hbm>>) target_semaphore(%arg11 : memref<!tpu.dma_semaphore, #tpu.memory_space<semaphore_mem>>)
    } else {
    }
    %add3A_48 = arith.constant 32 : i32
    %add3A_49 = arith.addi %add3A, %add3A_48 : i32
    %lt3A_50 = arith.constant 1023 : i32
    %lt3A_51 = arith.cmpi slt, %add3A_49, %lt3A_50 : i32
    %select_n3A_52 = arith.select %lt3A_51, %add3A_49, %add3A : i32
    %mul3A_53 = arith.constant 200 : i32
    %mul3A_54 = arith.muli %select_n3A_52, %mul3A_53 : i32
    %mul3A_55 = arith.constant 200 : i32
    %mul3A_56 = arith.muli %select_n3A_52, %mul3A_55 : i32
    %dma_wait3A_57 = tpu.memref_slice %arg2[%mul3A_56] : memref<204600xi32, #tpu.memory_space<hbm>> -> memref<200xi32, #tpu.memory_space<hbm>>
    %dma_wait3A_58 = tpu.memref_slice %arg2[%mul3A_56] : memref<204600xi32, #tpu.memory_space<hbm>> -> memref<200xi32, #tpu.memory_space<hbm>>
    tpu.wait_dma2 semaphore(%arg14 : memref<!tpu.dma_semaphore, #tpu.memory_space<semaphore_mem>>) src(%dma_wait3A_58 : memref<200xi32, #tpu.memory_space<hbm>>) dst(%arg7 : memref<200xi32, #tpu.memory_space<vmem>>)
    %add3A_59 = arith.constant 64 : i32
    %add3A_60 = arith.addi %add3A, %add3A_59 : i32
    %lt3A_61 = arith.constant 1023 : i32
    %lt3A_62 = arith.cmpi slt, %add3A_60, %lt3A_61 : i32
    %select_n3A_63 = arith.select %lt3A_62, %add3A_60, %add3A : i32
    %mul3A_64 = arith.constant 200 : i32
    %mul3A_65 = arith.muli %select_n3A_63, %mul3A_64 : i32
    %dma_start3A_66 = tpu.memref_slice %arg2[%mul3A_65] : memref<204600xi32, #tpu.memory_space<hbm>> -> memref<200xi32, #tpu.memory_space<hbm>>
    %dma_start3A_67 = tpu.memref_slice %arg2[%mul3A_65] : memref<204600xi32, #tpu.memory_space<hbm>> -> memref<200xi32, #tpu.memory_space<hbm>>
    tpu.enqueue_dma source(%dma_start3A_67 : memref<200xi32, #tpu.memory_space<hbm>>) target(%arg6 : memref<200xi32, #tpu.memory_space<vmem>>) target_semaphore(%arg13 : memref<!tpu.dma_semaphore, #tpu.memory_space<semaphore_mem>>)
    %ge3A_68 = arith.constant 341 : i32
    %ge3A_69 = arith.cmpi sge, %select_n3A_52, %ge3A_68 : i32
    %lt3A_70 = arith.constant 405 : i32
    %lt3A_71 = arith.cmpi slt, %select_n3A_52, %lt3A_70 : i32
    %and3A_72 = arith.andi %ge3A_69, %lt3A_71 : i1
    %convert_element_type3A_73 = arith.extui %and3A_72 : i1 to i32
    %cond3A_74 = arith.constant 0 : i32
    %cond3A_75 = arith.cmpi ne, %convert_element_type3A_73, %cond3A_74 : i32
    scf.if %cond3A_75 {
      "tpu.region"() ({
        %run_scoped3A = tpu.sem_alloc : memref<!tpu.dma_semaphore, #tpu.memory_space<semaphore_mem>>
        %dma_start3A_143 = arith.constant 0 : i32
        %dma_start3A_144 = arith.constant 0 : i32
        %dma_start3A_145 = tpu.memref_slice %arg9[%dma_start3A_143, %dma_start3A_144] : memref<210x128xf32, #tpu.memory_space<vmem>> -> memref<16x128xf32, #tpu.memory_space<vmem>>
        %dma_start3A_146 = arith.constant 0 : i32
        %dma_start3A_147 = arith.constant 0 : i32
        %dma_start3A_148 = tpu.memref_slice %arg4[%dma_start3A_146, %dma_start3A_147] : memref<32x128xf32, #tpu.memory_space<hbm>> -> memref<16x128xf32, #tpu.memory_space<hbm>>
        %dma_start3A_149 = arith.constant 0 : i32
        %dma_start3A_150 = arith.constant 0 : i32
        %dma_start3A_151 = tpu.memref_slice %arg9[%dma_start3A_149, %dma_start3A_150] : memref<210x128xf32, #tpu.memory_space<vmem>> -> memref<16x128xf32, #tpu.memory_space<vmem>>
        %dma_start3A_152 = arith.constant 0 : i32
        %dma_start3A_153 = arith.constant 0 : i32
        %dma_start3A_154 = tpu.memref_slice %arg4[%dma_start3A_152, %dma_start3A_153] : memref<32x128xf32, #tpu.memory_space<hbm>> -> memref<16x128xf32, #tpu.memory_space<hbm>>
        tpu.enqueue_dma source(%dma_start3A_154 : memref<16x128xf32, #tpu.memory_space<hbm>>) target(%dma_start3A_151 : memref<16x128xf32, #tpu.memory_space<vmem>>) target_semaphore(%run_scoped3A : memref<!tpu.dma_semaphore, #tpu.memory_space<semaphore_mem>>)
        %dma_wait3A_155 = arith.constant 0 : i32
        %dma_wait3A_156 = arith.constant 0 : i32
        %dma_wait3A_157 = tpu.memref_slice %arg9[%dma_wait3A_155, %dma_wait3A_156] : memref<210x128xf32, #tpu.memory_space<vmem>> -> memref<16x128xf32, #tpu.memory_space<vmem>>
        %dma_wait3A_158 = arith.constant 0 : i32
        %dma_wait3A_159 = arith.constant 0 : i32
        %dma_wait3A_160 = tpu.memref_slice %arg4[%dma_wait3A_158, %dma_wait3A_159] : memref<32x128xf32, #tpu.memory_space<hbm>> -> memref<16x128xf32, #tpu.memory_space<hbm>>
        %dma_wait3A_161 = arith.constant 0 : i32
        %dma_wait3A_162 = arith.constant 0 : i32
        %dma_wait3A_163 = tpu.memref_slice %arg9[%dma_wait3A_161, %dma_wait3A_162] : memref<210x128xf32, #tpu.memory_space<vmem>> -> memref<16x128xf32, #tpu.memory_space<vmem>>
        %dma_wait3A_164 = arith.constant 0 : i32
        %dma_wait3A_165 = arith.constant 0 : i32
        %dma_wait3A_166 = tpu.memref_slice %arg4[%dma_wait3A_164, %dma_wait3A_165] : memref<32x128xf32, #tpu.memory_space<hbm>> -> memref<16x128xf32, #tpu.memory_space<hbm>>
        tpu.wait_dma2 semaphore(%run_scoped3A : memref<!tpu.dma_semaphore, #tpu.memory_space<semaphore_mem>>) src(%dma_wait3A_166 : memref<16x128xf32, #tpu.memory_space<hbm>>) dst(%dma_wait3A_163 : memref<16x128xf32, #tpu.memory_space<vmem>>)
        tpu.yield
      }) : () -> ()
    } else {
    }
    %ge3A_76 = arith.constant 682 : i32
    %ge3A_77 = arith.cmpi sge, %select_n3A_52, %ge3A_76 : i32
    %lt3A_78 = arith.constant 746 : i32
    %lt3A_79 = arith.cmpi slt, %select_n3A_52, %lt3A_78 : i32
    %and3A_80 = arith.andi %ge3A_77, %lt3A_79 : i1
    %convert_element_type3A_81 = arith.extui %and3A_80 : i1 to i32
    %cond3A_82 = arith.constant 0 : i32
    %cond3A_83 = arith.cmpi ne, %convert_element_type3A_81, %cond3A_82 : i32
    scf.if %cond3A_83 {
      "tpu.region"() ({
        %run_scoped3A = tpu.sem_alloc : memref<!tpu.dma_semaphore, #tpu.memory_space<semaphore_mem>>
        %dma_start3A_143 = arith.constant 0 : i32
        %dma_start3A_144 = arith.constant 0 : i32
        %dma_start3A_145 = tpu.memref_slice %arg9[%dma_start3A_143, %dma_start3A_144] : memref<210x128xf32, #tpu.memory_space<vmem>> -> memref<16x128xf32, #tpu.memory_space<vmem>>
        %dma_start3A_146 = arith.constant 16 : i32
        %dma_start3A_147 = arith.constant 0 : i32
        %dma_start3A_148 = tpu.memref_slice %arg4[%dma_start3A_146, %dma_start3A_147] : memref<32x128xf32, #tpu.memory_space<hbm>> -> memref<16x128xf32, #tpu.memory_space<hbm>>
        %dma_start3A_149 = arith.constant 0 : i32
        %dma_start3A_150 = arith.constant 0 : i32
        %dma_start3A_151 = tpu.memref_slice %arg9[%dma_start3A_149, %dma_start3A_150] : memref<210x128xf32, #tpu.memory_space<vmem>> -> memref<16x128xf32, #tpu.memory_space<vmem>>
        %dma_start3A_152 = arith.constant 16 : i32
        %dma_start3A_153 = arith.constant 0 : i32
        %dma_start3A_154 = tpu.memref_slice %arg4[%dma_start3A_152, %dma_start3A_153] : memref<32x128xf32, #tpu.memory_space<hbm>> -> memref<16x128xf32, #tpu.memory_space<hbm>>
        tpu.enqueue_dma source(%dma_start3A_154 : memref<16x128xf32, #tpu.memory_space<hbm>>) target(%dma_start3A_151 : memref<16x128xf32, #tpu.memory_space<vmem>>) target_semaphore(%run_scoped3A : memref<!tpu.dma_semaphore, #tpu.memory_space<semaphore_mem>>)
        %dma_wait3A_155 = arith.constant 0 : i32
        %dma_wait3A_156 = arith.constant 0 : i32
        %dma_wait3A_157 = tpu.memref_slice %arg9[%dma_wait3A_155, %dma_wait3A_156] : memref<210x128xf32, #tpu.memory_space<vmem>> -> memref<16x128xf32, #tpu.memory_space<vmem>>
        %dma_wait3A_158 = arith.constant 16 : i32
        %dma_wait3A_159 = arith.constant 0 : i32
        %dma_wait3A_160 = tpu.memref_slice %arg4[%dma_wait3A_158, %dma_wait3A_159] : memref<32x128xf32, #tpu.memory_space<hbm>> -> memref<16x128xf32, #tpu.memory_space<hbm>>
        %dma_wait3A_161 = arith.constant 0 : i32
        %dma_wait3A_162 = arith.constant 0 : i32
        %dma_wait3A_163 = tpu.memref_slice %arg9[%dma_wait3A_161, %dma_wait3A_162] : memref<210x128xf32, #tpu.memory_space<vmem>> -> memref<16x128xf32, #tpu.memory_space<vmem>>
        %dma_wait3A_164 = arith.constant 16 : i32
        %dma_wait3A_165 = arith.constant 0 : i32
        %dma_wait3A_166 = tpu.memref_slice %arg4[%dma_wait3A_164, %dma_wait3A_165] : memref<32x128xf32, #tpu.memory_space<hbm>> -> memref<16x128xf32, #tpu.memory_space<hbm>>
        tpu.wait_dma2 semaphore(%run_scoped3A : memref<!tpu.dma_semaphore, #tpu.memory_space<semaphore_mem>>) src(%dma_wait3A_166 : memref<16x128xf32, #tpu.memory_space<hbm>>) dst(%dma_wait3A_163 : memref<16x128xf32, #tpu.memory_space<vmem>>)
        tpu.yield
      }) : () -> ()
    } else {
    }
    %lt3A_84 = arith.constant 341 : i32
    %lt3A_85 = arith.cmpi slt, %select_n3A_52, %lt3A_84 : i32
    %convert_element_type3A_86 = arith.extui %lt3A_85 : i1 to i32
    %cond3A_87 = arith.constant 0 : i32
    %cond3A_88 = arith.cmpi ne, %convert_element_type3A_86, %cond3A_87 : i32
    scf.if %cond3A_88 {
      %dma_start3A_143 = arith.constant 10 : i32
      %dma_start3A_144 = arith.constant 0 : i32
      %dma_start3A_145 = tpu.memref_slice %arg9[%dma_start3A_143, %dma_start3A_144] : memref<210x128xf32, #tpu.memory_space<vmem>> -> memref<128x128xf32, #tpu.memory_space<vmem>>
      %dma_start3A_146 = arith.constant 0 : i32
      %dma_start3A_147 = tpu.memref_slice %arg7[%dma_start3A_146] : memref<200xi32, #tpu.memory_space<vmem>> -> memref<128xi32, #tpu.memory_space<vmem>>
      %dma_start3A_148 = arith.constant 0 : i32
      %dma_start3A_149 = arith.constant 0 : i32
      %dma_start3A_150 = tpu.memref_slice %arg3[%dma_start3A_148, %dma_start3A_149] : memref<100000x128xf32, #tpu.memory_space<hbm>> -> memref<100000x128xf32, #tpu.memory_space<hbm>>
      tpu.enqueue_indirect_dma source(%dma_start3A_150 : memref<100000x128xf32, #tpu.memory_space<hbm>>) target(%dma_start3A_145 : memref<128x128xf32, #tpu.memory_space<vmem>>) offsets(%dma_start3A_147 : memref<128xi32, #tpu.memory_space<vmem>>) semaphore(%arg10 : memref<!tpu.dma_semaphore, #tpu.memory_space<semaphore_mem>>)
      %dma_start3A_151 = arith.constant 138 : i32
      %dma_start3A_152 = arith.constant 0 : i32
      %dma_start3A_153 = tpu.memref_slice %arg9[%dma_start3A_151, %dma_start3A_152] : memref<210x128xf32, #tpu.memory_space<vmem>> -> memref<72x128xf32, #tpu.memory_space<vmem>>
      %dma_start3A_154 = arith.constant 128 : i32
      %dma_start3A_155 = tpu.memref_slice %arg7[%dma_start3A_154] : memref<200xi32, #tpu.memory_space<vmem>> -> memref<72xi32, #tpu.memory_space<vmem>>
      %dma_start3A_156 = arith.constant 0 : i32
      %dma_start3A_157 = arith.constant 0 : i32
      %dma_start3A_158 = tpu.memref_slice %arg3[%dma_start3A_156, %dma_start3A_157] : memref<100000x128xf32, #tpu.memory_space<hbm>> -> memref<100000x128xf32, #tpu.memory_space<hbm>>
      tpu.enqueue_indirect_dma source(%dma_start3A_158 : memref<100000x128xf32, #tpu.memory_space<hbm>>) target(%dma_start3A_153 : memref<72x128xf32, #tpu.memory_space<vmem>>) offsets(%dma_start3A_155 : memref<72xi32, #tpu.memory_space<vmem>>) semaphore(%arg10 : memref<!tpu.dma_semaphore, #tpu.memory_space<semaphore_mem>>)
      %dma_wait3A_159 = arith.constant 10 : i32
      %dma_wait3A_160 = arith.constant 0 : i32
      %dma_wait3A_161 = tpu.memref_slice %arg9[%dma_wait3A_159, %dma_wait3A_160] : memref<210x128xf32, #tpu.memory_space<vmem>> -> memref<128x128xf32, #tpu.memory_space<vmem>>
      %dma_wait3A_162 = arith.constant 0 : i32
      %dma_wait3A_163 = tpu.memref_slice %arg7[%dma_wait3A_162] : memref<200xi32, #tpu.memory_space<vmem>> -> memref<128xi32, #tpu.memory_space<vmem>>
      %dma_wait3A_164 = arith.constant 0 : i32
      %dma_wait3A_165 = arith.constant 0 : i32
      %dma_wait3A_166 = tpu.memref_slice %arg3[%dma_wait3A_164, %dma_wait3A_165] : memref<100000x128xf32, #tpu.memory_space<hbm>> -> memref<100000x128xf32, #tpu.memory_space<hbm>>
      tpu.wait_indirect_dma semaphore(%arg10 : memref<!tpu.dma_semaphore, #tpu.memory_space<semaphore_mem>>) src(%dma_wait3A_166 : memref<100000x128xf32, #tpu.memory_space<hbm>>) dst(%dma_wait3A_161 : memref<128x128xf32, #tpu.memory_space<vmem>>)
      %dma_wait3A_167 = arith.constant 138 : i32
      %dma_wait3A_168 = arith.constant 0 : i32
      %dma_wait3A_169 = tpu.memref_slice %arg9[%dma_wait3A_167, %dma_wait3A_168] : memref<210x128xf32, #tpu.memory_space<vmem>> -> memref<72x128xf32, #tpu.memory_space<vmem>>
      %dma_wait3A_170 = arith.constant 128 : i32
      %dma_wait3A_171 = tpu.memref_slice %arg7[%dma_wait3A_170] : memref<200xi32, #tpu.memory_space<vmem>> -> memref<72xi32, #tpu.memory_space<vmem>>
      %dma_wait3A_172 = arith.constant 0 : i32
      %dma_wait3A_173 = arith.constant 0 : i32
      %dma_wait3A_174 = tpu.memref_slice %arg3[%dma_wait3A_172, %dma_wait3A_173] : memref<100000x128xf32, #tpu.memory_space<hbm>> -> memref<100000x128xf32, #tpu.memory_space<hbm>>
      tpu.wait_indirect_dma semaphore(%arg10 : memref<!tpu.dma_semaphore, #tpu.memory_space<semaphore_mem>>) src(%dma_wait3A_174 : memref<100000x128xf32, #tpu.memory_space<hbm>>) dst(%dma_wait3A_169 : memref<72x128xf32, #tpu.memory_space<vmem>>)
      %dma_start3A_175 = arith.constant 10 : i32
      %dma_start3A_176 = arith.constant 0 : i32
      %dma_start3A_177 = tpu.memref_slice %arg9[%dma_start3A_175, %dma_start3A_176] : memref<210x128xf32, #tpu.memory_space<vmem>> -> memref<200x128xf32, #tpu.memory_space<vmem>>
      %dma_start3A_178 = arith.constant 0 : i32
      %dma_start3A_179 = tpu.memref_slice %arg5[%mul3A_54, %dma_start3A_178] : memref<204600x128xf32, #tpu.memory_space<hbm>> -> memref<200x128xf32, #tpu.memory_space<hbm>>
      %dma_start3A_180 = arith.constant 0 : i32
      %dma_start3A_181 = tpu.memref_slice %arg5[%mul3A_54, %dma_start3A_180] : memref<204600x128xf32, #tpu.memory_space<hbm>> -> memref<200x128xf32, #tpu.memory_space<hbm>>
      %dma_start3A_182 = arith.constant 10 : i32
      %dma_start3A_183 = arith.constant 0 : i32
      %dma_start3A_184 = tpu.memref_slice %arg9[%dma_start3A_182, %dma_start3A_183] : memref<210x128xf32, #tpu.memory_space<vmem>> -> memref<200x128xf32, #tpu.memory_space<vmem>>
      tpu.enqueue_dma source(%dma_start3A_184 : memref<200x128xf32, #tpu.memory_space<vmem>>) target(%dma_start3A_181 : memref<200x128xf32, #tpu.memory_space<hbm>>) target_semaphore(%arg12 : memref<!tpu.dma_semaphore, #tpu.memory_space<semaphore_mem>>)
    } else {
    }
    %ge3A_89 = arith.constant 341 : i32
    %ge3A_90 = arith.cmpi sge, %select_n3A_52, %ge3A_89 : i32
    %convert_element_type3A_91 = arith.extui %ge3A_90 : i1 to i32
    %cond3A_92 = arith.constant 0 : i32
    %cond3A_93 = arith.cmpi ne, %convert_element_type3A_91, %cond3A_92 : i32
    scf.if %cond3A_93 {
      %dma_start3A_143 = arith.constant 10 : i32
      %dma_start3A_144 = arith.constant 0 : i32
      %dma_start3A_145 = tpu.memref_slice %arg9[%dma_start3A_143, %dma_start3A_144] : memref<210x128xf32, #tpu.memory_space<vmem>> -> memref<128x128xf32, #tpu.memory_space<vmem>>
      %dma_start3A_146 = arith.constant 0 : i32
      %dma_start3A_147 = tpu.memref_slice %arg7[%dma_start3A_146] : memref<200xi32, #tpu.memory_space<vmem>> -> memref<128xi32, #tpu.memory_space<vmem>>
      %dma_start3A_148 = arith.constant 0 : i32
      %dma_start3A_149 = arith.constant 0 : i32
      %dma_start3A_150 = tpu.memref_slice %arg3[%dma_start3A_148, %dma_start3A_149] : memref<100000x128xf32, #tpu.memory_space<hbm>> -> memref<100000x128xf32, #tpu.memory_space<hbm>>
      tpu.enqueue_indirect_dma source(%dma_start3A_150 : memref<100000x128xf32, #tpu.memory_space<hbm>>) target(%dma_start3A_145 : memref<128x128xf32, #tpu.memory_space<vmem>>) offsets(%dma_start3A_147 : memref<128xi32, #tpu.memory_space<vmem>>) semaphore(%arg10 : memref<!tpu.dma_semaphore, #tpu.memory_space<semaphore_mem>>)
      %dma_start3A_151 = arith.constant 138 : i32
      %dma_start3A_152 = arith.constant 0 : i32
      %dma_start3A_153 = tpu.memref_slice %arg9[%dma_start3A_151, %dma_start3A_152] : memref<210x128xf32, #tpu.memory_space<vmem>> -> memref<62x128xf32, #tpu.memory_space<vmem>>
      %dma_start3A_154 = arith.constant 128 : i32
      %dma_start3A_155 = tpu.memref_slice %arg7[%dma_start3A_154] : memref<200xi32, #tpu.memory_space<vmem>> -> memref<62xi32, #tpu.memory_space<vmem>>
      %dma_start3A_156 = arith.constant 0 : i32
      %dma_start3A_157 = arith.constant 0 : i32
      %dma_start3A_158 = tpu.memref_slice %arg3[%dma_start3A_156, %dma_start3A_157] : memref<100000x128xf32, #tpu.memory_space<hbm>> -> memref<100000x128xf32, #tpu.memory_space<hbm>>
      tpu.enqueue_indirect_dma source(%dma_start3A_158 : memref<100000x128xf32, #tpu.memory_space<hbm>>) target(%dma_start3A_153 : memref<62x128xf32, #tpu.memory_space<vmem>>) offsets(%dma_start3A_155 : memref<62xi32, #tpu.memory_space<vmem>>) semaphore(%arg10 : memref<!tpu.dma_semaphore, #tpu.memory_space<semaphore_mem>>)
      %dma_wait3A_159 = arith.constant 10 : i32
      %dma_wait3A_160 = arith.constant 0 : i32
      %dma_wait3A_161 = tpu.memref_slice %arg9[%dma_wait3A_159, %dma_wait3A_160] : memref<210x128xf32, #tpu.memory_space<vmem>> -> memref<128x128xf32, #tpu.memory_space<vmem>>
      %dma_wait3A_162 = arith.constant 0 : i32
      %dma_wait3A_163 = tpu.memref_slice %arg7[%dma_wait3A_162] : memref<200xi32, #tpu.memory_space<vmem>> -> memref<128xi32, #tpu.memory_space<vmem>>
      %dma_wait3A_164 = arith.constant 0 : i32
      %dma_wait3A_165 = arith.constant 0 : i32
      %dma_wait3A_166 = tpu.memref_slice %arg3[%dma_wait3A_164, %dma_wait3A_165] : memref<100000x128xf32, #tpu.memory_space<hbm>> -> memref<100000x128xf32, #tpu.memory_space<hbm>>
      tpu.wait_indirect_dma semaphore(%arg10 : memref<!tpu.dma_semaphore, #tpu.memory_space<semaphore_mem>>) src(%dma_wait3A_166 : memref<100000x128xf32, #tpu.memory_space<hbm>>) dst(%dma_wait3A_161 : memref<128x128xf32, #tpu.memory_space<vmem>>)
      %dma_wait3A_167 = arith.constant 138 : i32
      %dma_wait3A_168 = arith.constant 0 : i32
      %dma_wait3A_169 = tpu.memref_slice %arg9[%dma_wait3A_167, %dma_wait3A_168] : memref<210x128xf32, #tpu.memory_space<vmem>> -> memref<62x128xf32, #tpu.memory_space<vmem>>
      %dma_wait3A_170 = arith.constant 128 : i32
      %dma_wait3A_171 = tpu.memref_slice %arg7[%dma_wait3A_170] : memref<200xi32, #tpu.memory_space<vmem>> -> memref<62xi32, #tpu.memory_space<vmem>>
      %dma_wait3A_172 = arith.constant 0 : i32
      %dma_wait3A_173 = arith.constant 0 : i32
      %dma_wait3A_174 = tpu.memref_slice %arg3[%dma_wait3A_172, %dma_wait3A_173] : memref<100000x128xf32, #tpu.memory_space<hbm>> -> memref<100000x128xf32, #tpu.memory_space<hbm>>
      tpu.wait_indirect_dma semaphore(%arg10 : memref<!tpu.dma_semaphore, #tpu.memory_space<semaphore_mem>>) src(%dma_wait3A_174 : memref<100000x128xf32, #tpu.memory_space<hbm>>) dst(%dma_wait3A_169 : memref<62x128xf32, #tpu.memory_space<vmem>>)
      %dma_start3A_175 = arith.constant 0 : i32
      %dma_start3A_176 = arith.constant 0 : i32
      %dma_start3A_177 = tpu.memref_slice %arg9[%dma_start3A_175, %dma_start3A_176] : memref<210x128xf32, #tpu.memory_space<vmem>> -> memref<200x128xf32, #tpu.memory_space<vmem>>
      %dma_start3A_178 = arith.constant 0 : i32
      %dma_start3A_179 = tpu.memref_slice %arg5[%mul3A_54, %dma_start3A_178] : memref<204600x128xf32, #tpu.memory_space<hbm>> -> memref<200x128xf32, #tpu.memory_space<hbm>>
      %dma_start3A_180 = arith.constant 0 : i32
      %dma_start3A_181 = tpu.memref_slice %arg5[%mul3A_54, %dma_start3A_180] : memref<204600x128xf32, #tpu.memory_space<hbm>> -> memref<200x128xf32, #tpu.memory_space<hbm>>
      %dma_start3A_182 = arith.constant 0 : i32
      %dma_start3A_183 = arith.constant 0 : i32
      %dma_start3A_184 = tpu.memref_slice %arg9[%dma_start3A_182, %dma_start3A_183] : memref<210x128xf32, #tpu.memory_space<vmem>> -> memref<200x128xf32, #tpu.memory_space<vmem>>
      tpu.enqueue_dma source(%dma_start3A_184 : memref<200x128xf32, #tpu.memory_space<vmem>>) target(%dma_start3A_181 : memref<200x128xf32, #tpu.memory_space<hbm>>) target_semaphore(%arg12 : memref<!tpu.dma_semaphore, #tpu.memory_space<semaphore_mem>>)
    } else {
    }
    %scan3A = arith.constant 0 : i32
    %scan3A_94 = arith.constant 1 : i32
    %scan3A_95 = arith.constant 15 : i32
    %scan3A_96 = arith.addi %scan3A_94, %scan3A_95 : i32
    %scan3A_97 = arith.constant 1 : i32
    %scan3A_98 = scf.for %scan3A_143 = %scan3A_94 to %scan3A_96 step %scan3A_97 iter_args(%scan3A_144 = %scan3A) -> (i32)  : i32 {
      %mul3A_145 = arith.constant 2 : i32
      %mul3A_146 = arith.muli %mul3A_145, %scan3A_143 : i32
      %mul3A_147 = arith.constant 32 : i32
      %mul3A_148 = arith.muli %mul3A_146, %mul3A_147 : i32
      %add3A_149 = arith.addi %add3A, %mul3A_148 : i32
      %lt3A_150 = arith.constant 1023 : i32
      %lt3A_151 = arith.cmpi slt, %add3A_149, %lt3A_150 : i32
      %select_n3A_152 = arith.select %lt3A_151, %add3A_149, %add3A : i32
      %mul3A_153 = arith.constant 200 : i32
      %mul3A_154 = arith.muli %select_n3A_152, %mul3A_153 : i32
      %mul3A_155 = arith.constant 200 : i32
      %mul3A_156 = arith.muli %select_n3A_152, %mul3A_155 : i32
      %dma_wait3A_157 = tpu.memref_slice %arg2[%mul3A_156] : memref<204600xi32, #tpu.memory_space<hbm>> -> memref<200xi32, #tpu.memory_space<hbm>>
      %dma_wait3A_158 = tpu.memref_slice %arg2[%mul3A_156] : memref<204600xi32, #tpu.memory_space<hbm>> -> memref<200xi32, #tpu.memory_space<hbm>>
      tpu.wait_dma2 semaphore(%arg13 : memref<!tpu.dma_semaphore, #tpu.memory_space<semaphore_mem>>) src(%dma_wait3A_158 : memref<200xi32, #tpu.memory_space<hbm>>) dst(%arg6 : memref<200xi32, #tpu.memory_space<vmem>>)
      %add3A_159 = arith.constant 1 : i32
      %add3A_160 = arith.addi %mul3A_146, %add3A_159 : i32
      %mul3A_161 = arith.constant 32 : i32
      %mul3A_162 = arith.muli %add3A_160, %mul3A_161 : i32
      %add3A_163 = arith.addi %add3A, %mul3A_162 : i32
      %lt3A_164 = arith.constant 1023 : i32
      %lt3A_165 = arith.cmpi slt, %add3A_163, %lt3A_164 : i32
      %select_n3A_166 = arith.select %lt3A_165, %add3A_163, %add3A : i32
      %mul3A_167 = arith.constant 200 : i32
      %mul3A_168 = arith.muli %select_n3A_166, %mul3A_167 : i32
      %dma_start3A_169 = tpu.memref_slice %arg2[%mul3A_168] : memref<204600xi32, #tpu.memory_space<hbm>> -> memref<200xi32, #tpu.memory_space<hbm>>
      %dma_start3A_170 = tpu.memref_slice %arg2[%mul3A_168] : memref<204600xi32, #tpu.memory_space<hbm>> -> memref<200xi32, #tpu.memory_space<hbm>>
      tpu.enqueue_dma source(%dma_start3A_170 : memref<200xi32, #tpu.memory_space<hbm>>) target(%arg7 : memref<200xi32, #tpu.memory_space<vmem>>) target_semaphore(%arg14 : memref<!tpu.dma_semaphore, #tpu.memory_space<semaphore_mem>>)
      %add3A_171 = arith.constant 0 : i32
      %add3A_172 = arith.addi %add3A, %add3A_171 : i32
      %lt3A_173 = arith.constant 1023 : i32
      %lt3A_174 = arith.cmpi slt, %add3A_172, %lt3A_173 : i32
      %select_n3A_175 = arith.select %lt3A_174, %add3A_172, %add3A : i32
      %mul3A_176 = arith.constant 200 : i32
      %mul3A_177 = arith.muli %select_n3A_175, %mul3A_176 : i32
      %dma_wait3A_178 = arith.constant 0 : i32
      %dma_wait3A_179 = arith.constant 0 : i32
      %dma_wait3A_180 = tpu.memref_slice %arg8[%dma_wait3A_178, %dma_wait3A_179] : memref<210x128xf32, #tpu.memory_space<vmem>> -> memref<200x128xf32, #tpu.memory_space<vmem>>
      %dma_wait3A_181 = arith.constant 0 : i32
      %dma_wait3A_182 = tpu.memref_slice %arg5[%mul3A_177, %dma_wait3A_181] : memref<204600x128xf32, #tpu.memory_space<hbm>> -> memref<200x128xf32, #tpu.memory_space<hbm>>
      %dma_wait3A_183 = arith.constant 0 : i32
      %dma_wait3A_184 = tpu.memref_slice %arg5[%mul3A_177, %dma_wait3A_183] : memref<204600x128xf32, #tpu.memory_space<hbm>> -> memref<200x128xf32, #tpu.memory_space<hbm>>
      %dma_wait3A_185 = arith.constant 0 : i32
      %dma_wait3A_186 = arith.constant 0 : i32
      %dma_wait3A_187 = tpu.memref_slice %arg8[%dma_wait3A_185, %dma_wait3A_186] : memref<210x128xf32, #tpu.memory_space<vmem>> -> memref<200x128xf32, #tpu.memory_space<vmem>>
      tpu.wait_dma2 semaphore(%arg11 : memref<!tpu.dma_semaphore, #tpu.memory_space<semaphore_mem>>) src(%dma_wait3A_187 : memref<200x128xf32, #tpu.memory_space<vmem>>) dst(%dma_wait3A_184 : memref<200x128xf32, #tpu.memory_space<hbm>>)
      %ge3A_188 = arith.constant 341 : i32
      %ge3A_189 = arith.cmpi sge, %select_n3A_152, %ge3A_188 : i32
      %lt3A_190 = arith.constant 405 : i32
      %lt3A_191 = arith.cmpi slt, %select_n3A_152, %lt3A_190 : i32
      %and3A_192 = arith.andi %ge3A_189, %lt3A_191 : i1
      %convert_element_type3A_193 = arith.extui %and3A_192 : i1 to i32
      %cond3A_194 = arith.constant 0 : i32
      %cond3A_195 = arith.cmpi ne, %convert_element_type3A_193, %cond3A_194 : i32
      scf.if %cond3A_195 {
        "tpu.region"() ({
          %run_scoped3A = tpu.sem_alloc : memref<!tpu.dma_semaphore, #tpu.memory_space<semaphore_mem>>
          %dma_start3A_286 = arith.constant 0 : i32
          %dma_start3A_287 = arith.constant 0 : i32
          %dma_start3A_288 = tpu.memref_slice %arg8[%dma_start3A_286, %dma_start3A_287] : memref<210x128xf32, #tpu.memory_space<vmem>> -> memref<16x128xf32, #tpu.memory_space<vmem>>
          %dma_start3A_289 = arith.constant 0 : i32
          %dma_start3A_290 = arith.constant 0 : i32
          %dma_start3A_291 = tpu.memref_slice %arg4[%dma_start3A_289, %dma_start3A_290] : memref<32x128xf32, #tpu.memory_space<hbm>> -> memref<16x128xf32, #tpu.memory_space<hbm>>
          %dma_start3A_292 = arith.constant 0 : i32
          %dma_start3A_293 = arith.constant 0 : i32
          %dma_start3A_294 = tpu.memref_slice %arg8[%dma_start3A_292, %dma_start3A_293] : memref<210x128xf32, #tpu.memory_space<vmem>> -> memref<16x128xf32, #tpu.memory_space<vmem>>
          %dma_start3A_295 = arith.constant 0 : i32
          %dma_start3A_296 = arith.constant 0 : i32
          %dma_start3A_297 = tpu.memref_slice %arg4[%dma_start3A_295, %dma_start3A_296] : memref<32x128xf32, #tpu.memory_space<hbm>> -> memref<16x128xf32, #tpu.memory_space<hbm>>
          tpu.enqueue_dma source(%dma_start3A_297 : memref<16x128xf32, #tpu.memory_space<hbm>>) target(%dma_start3A_294 : memref<16x128xf32, #tpu.memory_space<vmem>>) target_semaphore(%run_scoped3A : memref<!tpu.dma_semaphore, #tpu.memory_space<semaphore_mem>>)
          %dma_wait3A_298 = arith.constant 0 : i32
          %dma_wait3A_299 = arith.constant 0 : i32
          %dma_wait3A_300 = tpu.memref_slice %arg8[%dma_wait3A_298, %dma_wait3A_299] : memref<210x128xf32, #tpu.memory_space<vmem>> -> memref<16x128xf32, #tpu.memory_space<vmem>>
          %dma_wait3A_301 = arith.constant 0 : i32
          %dma_wait3A_302 = arith.constant 0 : i32
          %dma_wait3A_303 = tpu.memref_slice %arg4[%dma_wait3A_301, %dma_wait3A_302] : memref<32x128xf32, #tpu.memory_space<hbm>> -> memref<16x128xf32, #tpu.memory_space<hbm>>
          %dma_wait3A_304 = arith.constant 0 : i32
          %dma_wait3A_305 = arith.constant 0 : i32
          %dma_wait3A_306 = tpu.memref_slice %arg8[%dma_wait3A_304, %dma_wait3A_305] : memref<210x128xf32, #tpu.memory_space<vmem>> -> memref<16x128xf32, #tpu.memory_space<vmem>>
          %dma_wait3A_307 = arith.constant 0 : i32
          %dma_wait3A_308 = arith.constant 0 : i32
          %dma_wait3A_309 = tpu.memref_slice %arg4[%dma_wait3A_307, %dma_wait3A_308] : memref<32x128xf32, #tpu.memory_space<hbm>> -> memref<16x128xf32, #tpu.memory_space<hbm>>
          tpu.wait_dma2 semaphore(%run_scoped3A : memref<!tpu.dma_semaphore, #tpu.memory_space<semaphore_mem>>) src(%dma_wait3A_309 : memref<16x128xf32, #tpu.memory_space<hbm>>) dst(%dma_wait3A_306 : memref<16x128xf32, #tpu.memory_space<vmem>>)
          tpu.yield
        }) : () -> ()
      } else {
      }
      %ge3A_196 = arith.constant 682 : i32
      %ge3A_197 = arith.cmpi sge, %select_n3A_152, %ge3A_196 : i32
      %lt3A_198 = arith.constant 746 : i32
      %lt3A_199 = arith.cmpi slt, %select_n3A_152, %lt3A_198 : i32
      %and3A_200 = arith.andi %ge3A_197, %lt3A_199 : i1
      %convert_element_type3A_201 = arith.extui %and3A_200 : i1 to i32
      %cond3A_202 = arith.constant 0 : i32
      %cond3A_203 = arith.cmpi ne, %convert_element_type3A_201, %cond3A_202 : i32
      scf.if %cond3A_203 {
        "tpu.region"() ({
          %run_scoped3A = tpu.sem_alloc : memref<!tpu.dma_semaphore, #tpu.memory_space<semaphore_mem>>
          %dma_start3A_286 = arith.constant 0 : i32
          %dma_start3A_287 = arith.constant 0 : i32
          %dma_start3A_288 = tpu.memref_slice %arg8[%dma_start3A_286, %dma_start3A_287] : memref<210x128xf32, #tpu.memory_space<vmem>> -> memref<16x128xf32, #tpu.memory_space<vmem>>
          %dma_start3A_289 = arith.constant 16 : i32
          %dma_start3A_290 = arith.constant 0 : i32
          %dma_start3A_291 = tpu.memref_slice %arg4[%dma_start3A_289, %dma_start3A_290] : memref<32x128xf32, #tpu.memory_space<hbm>> -> memref<16x128xf32, #tpu.memory_space<hbm>>
          %dma_start3A_292 = arith.constant 0 : i32
          %dma_start3A_293 = arith.constant 0 : i32
          %dma_start3A_294 = tpu.memref_slice %arg8[%dma_start3A_292, %dma_start3A_293] : memref<210x128xf32, #tpu.memory_space<vmem>> -> memref<16x128xf32, #tpu.memory_space<vmem>>
          %dma_start3A_295 = arith.constant 16 : i32
          %dma_start3A_296 = arith.constant 0 : i32
          %dma_start3A_297 = tpu.memref_slice %arg4[%dma_start3A_295, %dma_start3A_296] : memref<32x128xf32, #tpu.memory_space<hbm>> -> memref<16x128xf32, #tpu.memory_space<hbm>>
          tpu.enqueue_dma source(%dma_start3A_297 : memref<16x128xf32, #tpu.memory_space<hbm>>) target(%dma_start3A_294 : memref<16x128xf32, #tpu.memory_space<vmem>>) target_semaphore(%run_scoped3A : memref<!tpu.dma_semaphore, #tpu.memory_space<semaphore_mem>>)
          %dma_wait3A_298 = arith.constant 0 : i32
          %dma_wait3A_299 = arith.constant 0 : i32
          %dma_wait3A_300 = tpu.memref_slice %arg8[%dma_wait3A_298, %dma_wait3A_299] : memref<210x128xf32, #tpu.memory_space<vmem>> -> memref<16x128xf32, #tpu.memory_space<vmem>>
          %dma_wait3A_301 = arith.constant 16 : i32
          %dma_wait3A_302 = arith.constant 0 : i32
          %dma_wait3A_303 = tpu.memref_slice %arg4[%dma_wait3A_301, %dma_wait3A_302] : memref<32x128xf32, #tpu.memory_space<hbm>> -> memref<16x128xf32, #tpu.memory_space<hbm>>
          %dma_wait3A_304 = arith.constant 0 : i32
          %dma_wait3A_305 = arith.constant 0 : i32
          %dma_wait3A_306 = tpu.memref_slice %arg8[%dma_wait3A_304, %dma_wait3A_305] : memref<210x128xf32, #tpu.memory_space<vmem>> -> memref<16x128xf32, #tpu.memory_space<vmem>>
          %dma_wait3A_307 = arith.constant 16 : i32
          %dma_wait3A_308 = arith.constant 0 : i32
          %dma_wait3A_309 = tpu.memref_slice %arg4[%dma_wait3A_307, %dma_wait3A_308] : memref<32x128xf32, #tpu.memory_space<hbm>> -> memref<16x128xf32, #tpu.memory_space<hbm>>
          tpu.wait_dma2 semaphore(%run_scoped3A : memref<!tpu.dma_semaphore, #tpu.memory_space<semaphore_mem>>) src(%dma_wait3A_309 : memref<16x128xf32, #tpu.memory_space<hbm>>) dst(%dma_wait3A_306 : memref<16x128xf32, #tpu.memory_space<vmem>>)
          tpu.yield
        }) : () -> ()
      } else {
      }
      %lt3A_204 = arith.constant 341 : i32
      %lt3A_205 = arith.cmpi slt, %select_n3A_152, %lt3A_204 : i32
      %convert_element_type3A_206 = arith.extui %lt3A_205 : i1 to i32
      %cond3A_207 = arith.constant 0 : i32
      %cond3A_208 = arith.cmpi ne, %convert_element_type3A_206, %cond3A_207 : i32
      scf.if %cond3A_208 {
        %dma_start3A_286 = arith.constant 10 : i32
        %dma_start3A_287 = arith.constant 0 : i32
        %dma_start3A_288 = tpu.memref_slice %arg8[%dma_start3A_286, %dma_start3A_287] : memref<210x128xf32, #tpu.memory_space<vmem>> -> memref<128x128xf32, #tpu.memory_space<vmem>>
        %dma_start3A_289 = arith.constant 0 : i32
        %dma_start3A_290 = tpu.memref_slice %arg6[%dma_start3A_289] : memref<200xi32, #tpu.memory_space<vmem>> -> memref<128xi32, #tpu.memory_space<vmem>>
        %dma_start3A_291 = arith.constant 0 : i32
        %dma_start3A_292 = arith.constant 0 : i32
        %dma_start3A_293 = tpu.memref_slice %arg3[%dma_start3A_291, %dma_start3A_292] : memref<100000x128xf32, #tpu.memory_space<hbm>> -> memref<100000x128xf32, #tpu.memory_space<hbm>>
        tpu.enqueue_indirect_dma source(%dma_start3A_293 : memref<100000x128xf32, #tpu.memory_space<hbm>>) target(%dma_start3A_288 : memref<128x128xf32, #tpu.memory_space<vmem>>) offsets(%dma_start3A_290 : memref<128xi32, #tpu.memory_space<vmem>>) semaphore(%arg10 : memref<!tpu.dma_semaphore, #tpu.memory_space<semaphore_mem>>)
        %dma_start3A_294 = arith.constant 138 : i32
        %dma_start3A_295 = arith.constant 0 : i32
        %dma_start3A_296 = tpu.memref_slice %arg8[%dma_start3A_294, %dma_start3A_295] : memref<210x128xf32, #tpu.memory_space<vmem>> -> memref<72x128xf32, #tpu.memory_space<vmem>>
        %dma_start3A_297 = arith.constant 128 : i32
        %dma_start3A_298 = tpu.memref_slice %arg6[%dma_start3A_297] : memref<200xi32, #tpu.memory_space<vmem>> -> memref<72xi32, #tpu.memory_space<vmem>>
        %dma_start3A_299 = arith.constant 0 : i32
        %dma_start3A_300 = arith.constant 0 : i32
        %dma_start3A_301 = tpu.memref_slice %arg3[%dma_start3A_299, %dma_start3A_300] : memref<100000x128xf32, #tpu.memory_space<hbm>> -> memref<100000x128xf32, #tpu.memory_space<hbm>>
        tpu.enqueue_indirect_dma source(%dma_start3A_301 : memref<100000x128xf32, #tpu.memory_space<hbm>>) target(%dma_start3A_296 : memref<72x128xf32, #tpu.memory_space<vmem>>) offsets(%dma_start3A_298 : memref<72xi32, #tpu.memory_space<vmem>>) semaphore(%arg10 : memref<!tpu.dma_semaphore, #tpu.memory_space<semaphore_mem>>)
        %dma_wait3A_302 = arith.constant 10 : i32
        %dma_wait3A_303 = arith.constant 0 : i32
        %dma_wait3A_304 = tpu.memref_slice %arg8[%dma_wait3A_302, %dma_wait3A_303] : memref<210x128xf32, #tpu.memory_space<vmem>> -> memref<128x128xf32, #tpu.memory_space<vmem>>
        %dma_wait3A_305 = arith.constant 0 : i32
        %dma_wait3A_306 = tpu.memref_slice %arg6[%dma_wait3A_305] : memref<200xi32, #tpu.memory_space<vmem>> -> memref<128xi32, #tpu.memory_space<vmem>>
        %dma_wait3A_307 = arith.constant 0 : i32
        %dma_wait3A_308 = arith.constant 0 : i32
        %dma_wait3A_309 = tpu.memref_slice %arg3[%dma_wait3A_307, %dma_wait3A_308] : memref<100000x128xf32, #tpu.memory_space<hbm>> -> memref<100000x128xf32, #tpu.memory_space<hbm>>
        tpu.wait_indirect_dma semaphore(%arg10 : memref<!tpu.dma_semaphore, #tpu.memory_space<semaphore_mem>>) src(%dma_wait3A_309 : memref<100000x128xf32, #tpu.memory_space<hbm>>) dst(%dma_wait3A_304 : memref<128x128xf32, #tpu.memory_space<vmem>>)
        %dma_wait3A_310 = arith.constant 138 : i32
        %dma_wait3A_311 = arith.constant 0 : i32
        %dma_wait3A_312 = tpu.memref_slice %arg8[%dma_wait3A_310, %dma_wait3A_311] : memref<210x128xf32, #tpu.memory_space<vmem>> -> memref<72x128xf32, #tpu.memory_space<vmem>>
        %dma_wait3A_313 = arith.constant 128 : i32
        %dma_wait3A_314 = tpu.memref_slice %arg6[%dma_wait3A_313] : memref<200xi32, #tpu.memory_space<vmem>> -> memref<72xi32, #tpu.memory_space<vmem>>
        %dma_wait3A_315 = arith.constant 0 : i32
        %dma_wait3A_316 = arith.constant 0 : i32
        %dma_wait3A_317 = tpu.memref_slice %arg3[%dma_wait3A_315, %dma_wait3A_316] : memref<100000x128xf32, #tpu.memory_space<hbm>> -> memref<100000x128xf32, #tpu.memory_space<hbm>>
        tpu.wait_indirect_dma semaphore(%arg10 : memref<!tpu.dma_semaphore, #tpu.memory_space<semaphore_mem>>) src(%dma_wait3A_317 : memref<100000x128xf32, #tpu.memory_space<hbm>>) dst(%dma_wait3A_312 : memref<72x128xf32, #tpu.memory_space<vmem>>)
        %dma_start3A_318 = arith.constant 10 : i32
        %dma_start3A_319 = arith.constant 0 : i32
        %dma_start3A_320 = tpu.memref_slice %arg8[%dma_start3A_318, %dma_start3A_319] : memref<210x128xf32, #tpu.memory_space<vmem>> -> memref<200x128xf32, #tpu.memory_space<vmem>>
        %dma_start3A_321 = arith.constant 0 : i32
        %dma_start3A_322 = tpu.memref_slice %arg5[%mul3A_154, %dma_start3A_321] : memref<204600x128xf32, #tpu.memory_space<hbm>> -> memref<200x128xf32, #tpu.memory_space<hbm>>
        %dma_start3A_323 = arith.constant 0 : i32
        %dma_start3A_324 = tpu.memref_slice %arg5[%mul3A_154, %dma_start3A_323] : memref<204600x128xf32, #tpu.memory_space<hbm>> -> memref<200x128xf32, #tpu.memory_space<hbm>>
        %dma_start3A_325 = arith.constant 10 : i32
        %dma_start3A_326 = arith.constant 0 : i32
        %dma_start3A_327 = tpu.memref_slice %arg8[%dma_start3A_325, %dma_start3A_326] : memref<210x128xf32, #tpu.memory_space<vmem>> -> memref<200x128xf32, #tpu.memory_space<vmem>>
        tpu.enqueue_dma source(%dma_start3A_327 : memref<200x128xf32, #tpu.memory_space<vmem>>) target(%dma_start3A_324 : memref<200x128xf32, #tpu.memory_space<hbm>>) target_semaphore(%arg11 : memref<!tpu.dma_semaphore, #tpu.memory_space<semaphore_mem>>)
      } else {
      }
      %ge3A_209 = arith.constant 341 : i32
      %ge3A_210 = arith.cmpi sge, %select_n3A_152, %ge3A_209 : i32
      %convert_element_type3A_211 = arith.extui %ge3A_210 : i1 to i32
      %cond3A_212 = arith.constant 0 : i32
      %cond3A_213 = arith.cmpi ne, %convert_element_type3A_211, %cond3A_212 : i32
      scf.if %cond3A_213 {
        %dma_start3A_286 = arith.constant 10 : i32
        %dma_start3A_287 = arith.constant 0 : i32
        %dma_start3A_288 = tpu.memref_slice %arg8[%dma_start3A_286, %dma_start3A_287] : memref<210x128xf32, #tpu.memory_space<vmem>> -> memref<128x128xf32, #tpu.memory_space<vmem>>
        %dma_start3A_289 = arith.constant 0 : i32
        %dma_start3A_290 = tpu.memref_slice %arg6[%dma_start3A_289] : memref<200xi32, #tpu.memory_space<vmem>> -> memref<128xi32, #tpu.memory_space<vmem>>
        %dma_start3A_291 = arith.constant 0 : i32
        %dma_start3A_292 = arith.constant 0 : i32
        %dma_start3A_293 = tpu.memref_slice %arg3[%dma_start3A_291, %dma_start3A_292] : memref<100000x128xf32, #tpu.memory_space<hbm>> -> memref<100000x128xf32, #tpu.memory_space<hbm>>
        tpu.enqueue_indirect_dma source(%dma_start3A_293 : memref<100000x128xf32, #tpu.memory_space<hbm>>) target(%dma_start3A_288 : memref<128x128xf32, #tpu.memory_space<vmem>>) offsets(%dma_start3A_290 : memref<128xi32, #tpu.memory_space<vmem>>) semaphore(%arg10 : memref<!tpu.dma_semaphore, #tpu.memory_space<semaphore_mem>>)
        %dma_start3A_294 = arith.constant 138 : i32
        %dma_start3A_295 = arith.constant 0 : i32
        %dma_start3A_296 = tpu.memref_slice %arg8[%dma_start3A_294, %dma_start3A_295] : memref<210x128xf32, #tpu.memory_space<vmem>> -> memref<62x128xf32, #tpu.memory_space<vmem>>
        %dma_start3A_297 = arith.constant 128 : i32
        %dma_start3A_298 = tpu.memref_slice %arg6[%dma_start3A_297] : memref<200xi32, #tpu.memory_space<vmem>> -> memref<62xi32, #tpu.memory_space<vmem>>
        %dma_start3A_299 = arith.constant 0 : i32
        %dma_start3A_300 = arith.constant 0 : i32
        %dma_start3A_301 = tpu.memref_slice %arg3[%dma_start3A_299, %dma_start3A_300] : memref<100000x128xf32, #tpu.memory_space<hbm>> -> memref<100000x128xf32, #tpu.memory_space<hbm>>
        tpu.enqueue_indirect_dma source(%dma_start3A_301 : memref<100000x128xf32, #tpu.memory_space<hbm>>) target(%dma_start3A_296 : memref<62x128xf32, #tpu.memory_space<vmem>>) offsets(%dma_start3A_298 : memref<62xi32, #tpu.memory_space<vmem>>) semaphore(%arg10 : memref<!tpu.dma_semaphore, #tpu.memory_space<semaphore_mem>>)
        %dma_wait3A_302 = arith.constant 10 : i32
        %dma_wait3A_303 = arith.constant 0 : i32
        %dma_wait3A_304 = tpu.memref_slice %arg8[%dma_wait3A_302, %dma_wait3A_303] : memref<210x128xf32, #tpu.memory_space<vmem>> -> memref<128x128xf32, #tpu.memory_space<vmem>>
        %dma_wait3A_305 = arith.constant 0 : i32
        %dma_wait3A_306 = tpu.memref_slice %arg6[%dma_wait3A_305] : memref<200xi32, #tpu.memory_space<vmem>> -> memref<128xi32, #tpu.memory_space<vmem>>
        %dma_wait3A_307 = arith.constant 0 : i32
        %dma_wait3A_308 = arith.constant 0 : i32
        %dma_wait3A_309 = tpu.memref_slice %arg3[%dma_wait3A_307, %dma_wait3A_308] : memref<100000x128xf32, #tpu.memory_space<hbm>> -> memref<100000x128xf32, #tpu.memory_space<hbm>>
        tpu.wait_indirect_dma semaphore(%arg10 : memref<!tpu.dma_semaphore, #tpu.memory_space<semaphore_mem>>) src(%dma_wait3A_309 : memref<100000x128xf32, #tpu.memory_space<hbm>>) dst(%dma_wait3A_304 : memref<128x128xf32, #tpu.memory_space<vmem>>)
        %dma_wait3A_310 = arith.constant 138 : i32
        %dma_wait3A_311 = arith.constant 0 : i32
        %dma_wait3A_312 = tpu.memref_slice %arg8[%dma_wait3A_310, %dma_wait3A_311] : memref<210x128xf32, #tpu.memory_space<vmem>> -> memref<62x128xf32, #tpu.memory_space<vmem>>
        %dma_wait3A_313 = arith.constant 128 : i32
        %dma_wait3A_314 = tpu.memref_slice %arg6[%dma_wait3A_313] : memref<200xi32, #tpu.memory_space<vmem>> -> memref<62xi32, #tpu.memory_space<vmem>>
        %dma_wait3A_315 = arith.constant 0 : i32
        %dma_wait3A_316 = arith.constant 0 : i32
        %dma_wait3A_317 = tpu.memref_slice %arg3[%dma_wait3A_315, %dma_wait3A_316] : memref<100000x128xf32, #tpu.memory_space<hbm>> -> memref<100000x128xf32, #tpu.memory_space<hbm>>
        tpu.wait_indirect_dma semaphore(%arg10 : memref<!tpu.dma_semaphore, #tpu.memory_space<semaphore_mem>>) src(%dma_wait3A_317 : memref<100000x128xf32, #tpu.memory_space<hbm>>) dst(%dma_wait3A_312 : memref<62x128xf32, #tpu.memory_space<vmem>>)
        %dma_start3A_318 = arith.constant 0 : i32
        %dma_start3A_319 = arith.constant 0 : i32
        %dma_start3A_320 = tpu.memref_slice %arg8[%dma_start3A_318, %dma_start3A_319] : memref<210x128xf32, #tpu.memory_space<vmem>> -> memref<200x128xf32, #tpu.memory_space<vmem>>
        %dma_start3A_321 = arith.constant 0 : i32
        %dma_start3A_322 = tpu.memref_slice %arg5[%mul3A_154, %dma_start3A_321] : memref<204600x128xf32, #tpu.memory_space<hbm>> -> memref<200x128xf32, #tpu.memory_space<hbm>>
        %dma_start3A_323 = arith.constant 0 : i32
        %dma_start3A_324 = tpu.memref_slice %arg5[%mul3A_154, %dma_start3A_323] : memref<204600x128xf32, #tpu.memory_space<hbm>> -> memref<200x128xf32, #tpu.memory_space<hbm>>
        %dma_start3A_325 = arith.constant 0 : i32
        %dma_start3A_326 = arith.constant 0 : i32
        %dma_start3A_327 = tpu.memref_slice %arg8[%dma_start3A_325, %dma_start3A_326] : memref<210x128xf32, #tpu.memory_space<vmem>> -> memref<200x128xf32, #tpu.memory_space<vmem>>
        tpu.enqueue_dma source(%dma_start3A_327 : memref<200x128xf32, #tpu.memory_space<vmem>>) target(%dma_start3A_324 : memref<200x128xf32, #tpu.memory_space<hbm>>) target_semaphore(%arg11 : memref<!tpu.dma_semaphore, #tpu.memory_space<semaphore_mem>>)
      } else {
      }
      %mul3A_214 = arith.constant 2 : i32
      %mul3A_215 = arith.muli %mul3A_214, %scan3A_143 : i32
      %add3A_216 = arith.constant 1 : i32
      %add3A_217 = arith.addi %mul3A_215, %add3A_216 : i32
      %mul3A_218 = arith.constant 32 : i32
      %mul3A_219 = arith.muli %add3A_217, %mul3A_218 : i32
      %add3A_220 = arith.addi %add3A, %mul3A_219 : i32
      %lt3A_221 = arith.constant 1023 : i32
      %lt3A_222 = arith.cmpi slt, %add3A_220, %lt3A_221 : i32
      %select_n3A_223 = arith.select %lt3A_222, %add3A_220, %add3A : i32
      %mul3A_224 = arith.constant 200 : i32
      %mul3A_225 = arith.muli %select_n3A_223, %mul3A_224 : i32
      %mul3A_226 = arith.constant 200 : i32
      %mul3A_227 = arith.muli %select_n3A_223, %mul3A_226 : i32
      %dma_wait3A_228 = tpu.memref_slice %arg2[%mul3A_227] : memref<204600xi32, #tpu.memory_space<hbm>> -> memref<200xi32, #tpu.memory_space<hbm>>
      %dma_wait3A_229 = tpu.memref_slice %arg2[%mul3A_227] : memref<204600xi32, #tpu.memory_space<hbm>> -> memref<200xi32, #tpu.memory_space<hbm>>
      tpu.wait_dma2 semaphore(%arg14 : memref<!tpu.dma_semaphore, #tpu.memory_space<semaphore_mem>>) src(%dma_wait3A_229 : memref<200xi32, #tpu.memory_space<hbm>>) dst(%arg7 : memref<200xi32, #tpu.memory_space<vmem>>)
      %add3A_230 = arith.constant 1 : i32
      %add3A_231 = arith.addi %add3A_217, %add3A_230 : i32
      %mul3A_232 = arith.constant 32 : i32
      %mul3A_233 = arith.muli %add3A_231, %mul3A_232 : i32
      %add3A_234 = arith.addi %add3A, %mul3A_233 : i32
      %lt3A_235 = arith.constant 1023 : i32
      %lt3A_236 = arith.cmpi slt, %add3A_234, %lt3A_235 : i32
      %select_n3A_237 = arith.select %lt3A_236, %add3A_234, %add3A : i32
      %mul3A_238 = arith.constant 200 : i32
      %mul3A_239 = arith.muli %select_n3A_237, %mul3A_238 : i32
      %dma_start3A_240 = tpu.memref_slice %arg2[%mul3A_239] : memref<204600xi32, #tpu.memory_space<hbm>> -> memref<200xi32, #tpu.memory_space<hbm>>
      %dma_start3A_241 = tpu.memref_slice %arg2[%mul3A_239] : memref<204600xi32, #tpu.memory_space<hbm>> -> memref<200xi32, #tpu.memory_space<hbm>>
      tpu.enqueue_dma source(%dma_start3A_241 : memref<200xi32, #tpu.memory_space<hbm>>) target(%arg6 : memref<200xi32, #tpu.memory_space<vmem>>) target_semaphore(%arg13 : memref<!tpu.dma_semaphore, #tpu.memory_space<semaphore_mem>>)
      %add3A_242 = arith.constant 0 : i32
      %add3A_243 = arith.addi %add3A, %add3A_242 : i32
      %lt3A_244 = arith.constant 1023 : i32
      %lt3A_245 = arith.cmpi slt, %add3A_243, %lt3A_244 : i32
      %select_n3A_246 = arith.select %lt3A_245, %add3A_243, %add3A : i32
      %mul3A_247 = arith.constant 200 : i32
      %mul3A_248 = arith.muli %select_n3A_246, %mul3A_247 : i32
      %dma_wait3A_249 = arith.constant 0 : i32
      %dma_wait3A_250 = arith.constant 0 : i32
      %dma_wait3A_251 = tpu.memref_slice %arg9[%dma_wait3A_249, %dma_wait3A_250] : memref<210x128xf32, #tpu.memory_space<vmem>> -> memref<200x128xf32, #tpu.memory_space<vmem>>
      %dma_wait3A_252 = arith.constant 0 : i32
      %dma_wait3A_253 = tpu.memref_slice %arg5[%mul3A_248, %dma_wait3A_252] : memref<204600x128xf32, #tpu.memory_space<hbm>> -> memref<200x128xf32, #tpu.memory_space<hbm>>
      %dma_wait3A_254 = arith.constant 0 : i32
      %dma_wait3A_255 = tpu.memref_slice %arg5[%mul3A_248, %dma_wait3A_254] : memref<204600x128xf32, #tpu.memory_space<hbm>> -> memref<200x128xf32, #tpu.memory_space<hbm>>
      %dma_wait3A_256 = arith.constant 0 : i32
      %dma_wait3A_257 = arith.constant 0 : i32
      %dma_wait3A_258 = tpu.memref_slice %arg9[%dma_wait3A_256, %dma_wait3A_257] : memref<210x128xf32, #tpu.memory_space<vmem>> -> memref<200x128xf32, #tpu.memory_space<vmem>>
      tpu.wait_dma2 semaphore(%arg12 : memref<!tpu.dma_semaphore, #tpu.memory_space<semaphore_mem>>) src(%dma_wait3A_258 : memref<200x128xf32, #tpu.memory_space<vmem>>) dst(%dma_wait3A_255 : memref<200x128xf32, #tpu.memory_space<hbm>>)
      %ge3A_259 = arith.constant 341 : i32
      %ge3A_260 = arith.cmpi sge, %select_n3A_223, %ge3A_259 : i32
      %lt3A_261 = arith.constant 405 : i32
      %lt3A_262 = arith.cmpi slt, %select_n3A_223, %lt3A_261 : i32
      %and3A_263 = arith.andi %ge3A_260, %lt3A_262 : i1
      %convert_element_type3A_264 = arith.extui %and3A_263 : i1 to i32
      %cond3A_265 = arith.constant 0 : i32
      %cond3A_266 = arith.cmpi ne, %convert_element_type3A_264, %cond3A_265 : i32
      scf.if %cond3A_266 {
        "tpu.region"() ({
          %run_scoped3A = tpu.sem_alloc : memref<!tpu.dma_semaphore, #tpu.memory_space<semaphore_mem>>
          %dma_start3A_286 = arith.constant 0 : i32
          %dma_start3A_287 = arith.constant 0 : i32
          %dma_start3A_288 = tpu.memref_slice %arg9[%dma_start3A_286, %dma_start3A_287] : memref<210x128xf32, #tpu.memory_space<vmem>> -> memref<16x128xf32, #tpu.memory_space<vmem>>
          %dma_start3A_289 = arith.constant 0 : i32
          %dma_start3A_290 = arith.constant 0 : i32
          %dma_start3A_291 = tpu.memref_slice %arg4[%dma_start3A_289, %dma_start3A_290] : memref<32x128xf32, #tpu.memory_space<hbm>> -> memref<16x128xf32, #tpu.memory_space<hbm>>
          %dma_start3A_292 = arith.constant 0 : i32
          %dma_start3A_293 = arith.constant 0 : i32
          %dma_start3A_294 = tpu.memref_slice %arg9[%dma_start3A_292, %dma_start3A_293] : memref<210x128xf32, #tpu.memory_space<vmem>> -> memref<16x128xf32, #tpu.memory_space<vmem>>
          %dma_start3A_295 = arith.constant 0 : i32
          %dma_start3A_296 = arith.constant 0 : i32
          %dma_start3A_297 = tpu.memref_slice %arg4[%dma_start3A_295, %dma_start3A_296] : memref<32x128xf32, #tpu.memory_space<hbm>> -> memref<16x128xf32, #tpu.memory_space<hbm>>
          tpu.enqueue_dma source(%dma_start3A_297 : memref<16x128xf32, #tpu.memory_space<hbm>>) target(%dma_start3A_294 : memref<16x128xf32, #tpu.memory_space<vmem>>) target_semaphore(%run_scoped3A : memref<!tpu.dma_semaphore, #tpu.memory_space<semaphore_mem>>)
          %dma_wait3A_298 = arith.constant 0 : i32
          %dma_wait3A_299 = arith.constant 0 : i32
          %dma_wait3A_300 = tpu.memref_slice %arg9[%dma_wait3A_298, %dma_wait3A_299] : memref<210x128xf32, #tpu.memory_space<vmem>> -> memref<16x128xf32, #tpu.memory_space<vmem>>
          %dma_wait3A_301 = arith.constant 0 : i32
          %dma_wait3A_302 = arith.constant 0 : i32
          %dma_wait3A_303 = tpu.memref_slice %arg4[%dma_wait3A_301, %dma_wait3A_302] : memref<32x128xf32, #tpu.memory_space<hbm>> -> memref<16x128xf32, #tpu.memory_space<hbm>>
          %dma_wait3A_304 = arith.constant 0 : i32
          %dma_wait3A_305 = arith.constant 0 : i32
          %dma_wait3A_306 = tpu.memref_slice %arg9[%dma_wait3A_304, %dma_wait3A_305] : memref<210x128xf32, #tpu.memory_space<vmem>> -> memref<16x128xf32, #tpu.memory_space<vmem>>
          %dma_wait3A_307 = arith.constant 0 : i32
          %dma_wait3A_308 = arith.constant 0 : i32
          %dma_wait3A_309 = tpu.memref_slice %arg4[%dma_wait3A_307, %dma_wait3A_308] : memref<32x128xf32, #tpu.memory_space<hbm>> -> memref<16x128xf32, #tpu.memory_space<hbm>>
          tpu.wait_dma2 semaphore(%run_scoped3A : memref<!tpu.dma_semaphore, #tpu.memory_space<semaphore_mem>>) src(%dma_wait3A_309 : memref<16x128xf32, #tpu.memory_space<hbm>>) dst(%dma_wait3A_306 : memref<16x128xf32, #tpu.memory_space<vmem>>)
          tpu.yield
        }) : () -> ()
      } else {
      }
      %ge3A_267 = arith.constant 682 : i32
      %ge3A_268 = arith.cmpi sge, %select_n3A_223, %ge3A_267 : i32
      %lt3A_269 = arith.constant 746 : i32
      %lt3A_270 = arith.cmpi slt, %select_n3A_223, %lt3A_269 : i32
      %and3A_271 = arith.andi %ge3A_268, %lt3A_270 : i1
      %convert_element_type3A_272 = arith.extui %and3A_271 : i1 to i32
      %cond3A_273 = arith.constant 0 : i32
      %cond3A_274 = arith.cmpi ne, %convert_element_type3A_272, %cond3A_273 : i32
      scf.if %cond3A_274 {
        "tpu.region"() ({
          %run_scoped3A = tpu.sem_alloc : memref<!tpu.dma_semaphore, #tpu.memory_space<semaphore_mem>>
          %dma_start3A_286 = arith.constant 0 : i32
          %dma_start3A_287 = arith.constant 0 : i32
          %dma_start3A_288 = tpu.memref_slice %arg9[%dma_start3A_286, %dma_start3A_287] : memref<210x128xf32, #tpu.memory_space<vmem>> -> memref<16x128xf32, #tpu.memory_space<vmem>>
          %dma_start3A_289 = arith.constant 16 : i32
          %dma_start3A_290 = arith.constant 0 : i32
          %dma_start3A_291 = tpu.memref_slice %arg4[%dma_start3A_289, %dma_start3A_290] : memref<32x128xf32, #tpu.memory_space<hbm>> -> memref<16x128xf32, #tpu.memory_space<hbm>>
          %dma_start3A_292 = arith.constant 0 : i32
          %dma_start3A_293 = arith.constant 0 : i32
          %dma_start3A_294 = tpu.memref_slice %arg9[%dma_start3A_292, %dma_start3A_293] : memref<210x128xf32, #tpu.memory_space<vmem>> -> memref<16x128xf32, #tpu.memory_space<vmem>>
          %dma_start3A_295 = arith.constant 16 : i32
          %dma_start3A_296 = arith.constant 0 : i32
          %dma_start3A_297 = tpu.memref_slice %arg4[%dma_start3A_295, %dma_start3A_296] : memref<32x128xf32, #tpu.memory_space<hbm>> -> memref<16x128xf32, #tpu.memory_space<hbm>>
          tpu.enqueue_dma source(%dma_start3A_297 : memref<16x128xf32, #tpu.memory_space<hbm>>) target(%dma_start3A_294 : memref<16x128xf32, #tpu.memory_space<vmem>>) target_semaphore(%run_scoped3A : memref<!tpu.dma_semaphore, #tpu.memory_space<semaphore_mem>>)
          %dma_wait3A_298 = arith.constant 0 : i32
          %dma_wait3A_299 = arith.constant 0 : i32
          %dma_wait3A_300 = tpu.memref_slice %arg9[%dma_wait3A_298, %dma_wait3A_299] : memref<210x128xf32, #tpu.memory_space<vmem>> -> memref<16x128xf32, #tpu.memory_space<vmem>>
          %dma_wait3A_301 = arith.constant 16 : i32
          %dma_wait3A_302 = arith.constant 0 : i32
          %dma_wait3A_303 = tpu.memref_slice %arg4[%dma_wait3A_301, %dma_wait3A_302] : memref<32x128xf32, #tpu.memory_space<hbm>> -> memref<16x128xf32, #tpu.memory_space<hbm>>
          %dma_wait3A_304 = arith.constant 0 : i32
          %dma_wait3A_305 = arith.constant 0 : i32
          %dma_wait3A_306 = tpu.memref_slice %arg9[%dma_wait3A_304, %dma_wait3A_305] : memref<210x128xf32, #tpu.memory_space<vmem>> -> memref<16x128xf32, #tpu.memory_space<vmem>>
          %dma_wait3A_307 = arith.constant 16 : i32
          %dma_wait3A_308 = arith.constant 0 : i32
          %dma_wait3A_309 = tpu.memref_slice %arg4[%dma_wait3A_307, %dma_wait3A_308] : memref<32x128xf32, #tpu.memory_space<hbm>> -> memref<16x128xf32, #tpu.memory_space<hbm>>
          tpu.wait_dma2 semaphore(%run_scoped3A : memref<!tpu.dma_semaphore, #tpu.memory_space<semaphore_mem>>) src(%dma_wait3A_309 : memref<16x128xf32, #tpu.memory_space<hbm>>) dst(%dma_wait3A_306 : memref<16x128xf32, #tpu.memory_space<vmem>>)
          tpu.yield
        }) : () -> ()
      } else {
      }
      %lt3A_275 = arith.constant 341 : i32
      %lt3A_276 = arith.cmpi slt, %select_n3A_223, %lt3A_275 : i32
      %convert_element_type3A_277 = arith.extui %lt3A_276 : i1 to i32
      %cond3A_278 = arith.constant 0 : i32
      %cond3A_279 = arith.cmpi ne, %convert_element_type3A_277, %cond3A_278 : i32
      scf.if %cond3A_279 {
        %dma_start3A_286 = arith.constant 10 : i32
        %dma_start3A_287 = arith.constant 0 : i32
        %dma_start3A_288 = tpu.memref_slice %arg9[%dma_start3A_286, %dma_start3A_287] : memref<210x128xf32, #tpu.memory_space<vmem>> -> memref<128x128xf32, #tpu.memory_space<vmem>>
        %dma_start3A_289 = arith.constant 0 : i32
        %dma_start3A_290 = tpu.memref_slice %arg7[%dma_start3A_289] : memref<200xi32, #tpu.memory_space<vmem>> -> memref<128xi32, #tpu.memory_space<vmem>>
        %dma_start3A_291 = arith.constant 0 : i32
        %dma_start3A_292 = arith.constant 0 : i32
        %dma_start3A_293 = tpu.memref_slice %arg3[%dma_start3A_291, %dma_start3A_292] : memref<100000x128xf32, #tpu.memory_space<hbm>> -> memref<100000x128xf32, #tpu.memory_space<hbm>>
        tpu.enqueue_indirect_dma source(%dma_start3A_293 : memref<100000x128xf32, #tpu.memory_space<hbm>>) target(%dma_start3A_288 : memref<128x128xf32, #tpu.memory_space<vmem>>) offsets(%dma_start3A_290 : memref<128xi32, #tpu.memory_space<vmem>>) semaphore(%arg10 : memref<!tpu.dma_semaphore, #tpu.memory_space<semaphore_mem>>)
        %dma_start3A_294 = arith.constant 138 : i32
        %dma_start3A_295 = arith.constant 0 : i32
        %dma_start3A_296 = tpu.memref_slice %arg9[%dma_start3A_294, %dma_start3A_295] : memref<210x128xf32, #tpu.memory_space<vmem>> -> memref<72x128xf32, #tpu.memory_space<vmem>>
        %dma_start3A_297 = arith.constant 128 : i32
        %dma_start3A_298 = tpu.memref_slice %arg7[%dma_start3A_297] : memref<200xi32, #tpu.memory_space<vmem>> -> memref<72xi32, #tpu.memory_space<vmem>>
        %dma_start3A_299 = arith.constant 0 : i32
        %dma_start3A_300 = arith.constant 0 : i32
        %dma_start3A_301 = tpu.memref_slice %arg3[%dma_start3A_299, %dma_start3A_300] : memref<100000x128xf32, #tpu.memory_space<hbm>> -> memref<100000x128xf32, #tpu.memory_space<hbm>>
        tpu.enqueue_indirect_dma source(%dma_start3A_301 : memref<100000x128xf32, #tpu.memory_space<hbm>>) target(%dma_start3A_296 : memref<72x128xf32, #tpu.memory_space<vmem>>) offsets(%dma_start3A_298 : memref<72xi32, #tpu.memory_space<vmem>>) semaphore(%arg10 : memref<!tpu.dma_semaphore, #tpu.memory_space<semaphore_mem>>)
        %dma_wait3A_302 = arith.constant 10 : i32
        %dma_wait3A_303 = arith.constant 0 : i32
        %dma_wait3A_304 = tpu.memref_slice %arg9[%dma_wait3A_302, %dma_wait3A_303] : memref<210x128xf32, #tpu.memory_space<vmem>> -> memref<128x128xf32, #tpu.memory_space<vmem>>
        %dma_wait3A_305 = arith.constant 0 : i32
        %dma_wait3A_306 = tpu.memref_slice %arg7[%dma_wait3A_305] : memref<200xi32, #tpu.memory_space<vmem>> -> memref<128xi32, #tpu.memory_space<vmem>>
        %dma_wait3A_307 = arith.constant 0 : i32
        %dma_wait3A_308 = arith.constant 0 : i32
        %dma_wait3A_309 = tpu.memref_slice %arg3[%dma_wait3A_307, %dma_wait3A_308] : memref<100000x128xf32, #tpu.memory_space<hbm>> -> memref<100000x128xf32, #tpu.memory_space<hbm>>
        tpu.wait_indirect_dma semaphore(%arg10 : memref<!tpu.dma_semaphore, #tpu.memory_space<semaphore_mem>>) src(%dma_wait3A_309 : memref<100000x128xf32, #tpu.memory_space<hbm>>) dst(%dma_wait3A_304 : memref<128x128xf32, #tpu.memory_space<vmem>>)
        %dma_wait3A_310 = arith.constant 138 : i32
        %dma_wait3A_311 = arith.constant 0 : i32
        %dma_wait3A_312 = tpu.memref_slice %arg9[%dma_wait3A_310, %dma_wait3A_311] : memref<210x128xf32, #tpu.memory_space<vmem>> -> memref<72x128xf32, #tpu.memory_space<vmem>>
        %dma_wait3A_313 = arith.constant 128 : i32
        %dma_wait3A_314 = tpu.memref_slice %arg7[%dma_wait3A_313] : memref<200xi32, #tpu.memory_space<vmem>> -> memref<72xi32, #tpu.memory_space<vmem>>
        %dma_wait3A_315 = arith.constant 0 : i32
        %dma_wait3A_316 = arith.constant 0 : i32
        %dma_wait3A_317 = tpu.memref_slice %arg3[%dma_wait3A_315, %dma_wait3A_316] : memref<100000x128xf32, #tpu.memory_space<hbm>> -> memref<100000x128xf32, #tpu.memory_space<hbm>>
        tpu.wait_indirect_dma semaphore(%arg10 : memref<!tpu.dma_semaphore, #tpu.memory_space<semaphore_mem>>) src(%dma_wait3A_317 : memref<100000x128xf32, #tpu.memory_space<hbm>>) dst(%dma_wait3A_312 : memref<72x128xf32, #tpu.memory_space<vmem>>)
        %dma_start3A_318 = arith.constant 10 : i32
        %dma_start3A_319 = arith.constant 0 : i32
        %dma_start3A_320 = tpu.memref_slice %arg9[%dma_start3A_318, %dma_start3A_319] : memref<210x128xf32, #tpu.memory_space<vmem>> -> memref<200x128xf32, #tpu.memory_space<vmem>>
        %dma_start3A_321 = arith.constant 0 : i32
        %dma_start3A_322 = tpu.memref_slice %arg5[%mul3A_225, %dma_start3A_321] : memref<204600x128xf32, #tpu.memory_space<hbm>> -> memref<200x128xf32, #tpu.memory_space<hbm>>
        %dma_start3A_323 = arith.constant 0 : i32
        %dma_start3A_324 = tpu.memref_slice %arg5[%mul3A_225, %dma_start3A_323] : memref<204600x128xf32, #tpu.memory_space<hbm>> -> memref<200x128xf32, #tpu.memory_space<hbm>>
        %dma_start3A_325 = arith.constant 10 : i32
        %dma_start3A_326 = arith.constant 0 : i32
        %dma_start3A_327 = tpu.memref_slice %arg9[%dma_start3A_325, %dma_start3A_326] : memref<210x128xf32, #tpu.memory_space<vmem>> -> memref<200x128xf32, #tpu.memory_space<vmem>>
        tpu.enqueue_dma source(%dma_start3A_327 : memref<200x128xf32, #tpu.memory_space<vmem>>) target(%dma_start3A_324 : memref<200x128xf32, #tpu.memory_space<hbm>>) target_semaphore(%arg12 : memref<!tpu.dma_semaphore, #tpu.memory_space<semaphore_mem>>)
      } else {
      }
      %ge3A_280 = arith.constant 341 : i32
      %ge3A_281 = arith.cmpi sge, %select_n3A_223, %ge3A_280 : i32
      %convert_element_type3A_282 = arith.extui %ge3A_281 : i1 to i32
      %cond3A_283 = arith.constant 0 : i32
      %cond3A_284 = arith.cmpi ne, %convert_element_type3A_282, %cond3A_283 : i32
      scf.if %cond3A_284 {
        %dma_start3A_286 = arith.constant 10 : i32
        %dma_start3A_287 = arith.constant 0 : i32
        %dma_start3A_288 = tpu.memref_slice %arg9[%dma_start3A_286, %dma_start3A_287] : memref<210x128xf32, #tpu.memory_space<vmem>> -> memref<128x128xf32, #tpu.memory_space<vmem>>
        %dma_start3A_289 = arith.constant 0 : i32
        %dma_start3A_290 = tpu.memref_slice %arg7[%dma_start3A_289] : memref<200xi32, #tpu.memory_space<vmem>> -> memref<128xi32, #tpu.memory_space<vmem>>
        %dma_start3A_291 = arith.constant 0 : i32
        %dma_start3A_292 = arith.constant 0 : i32
        %dma_start3A_293 = tpu.memref_slice %arg3[%dma_start3A_291, %dma_start3A_292] : memref<100000x128xf32, #tpu.memory_space<hbm>> -> memref<100000x128xf32, #tpu.memory_space<hbm>>
        tpu.enqueue_indirect_dma source(%dma_start3A_293 : memref<100000x128xf32, #tpu.memory_space<hbm>>) target(%dma_start3A_288 : memref<128x128xf32, #tpu.memory_space<vmem>>) offsets(%dma_start3A_290 : memref<128xi32, #tpu.memory_space<vmem>>) semaphore(%arg10 : memref<!tpu.dma_semaphore, #tpu.memory_space<semaphore_mem>>)
        %dma_start3A_294 = arith.constant 138 : i32
        %dma_start3A_295 = arith.constant 0 : i32
        %dma_start3A_296 = tpu.memref_slice %arg9[%dma_start3A_294, %dma_start3A_295] : memref<210x128xf32, #tpu.memory_space<vmem>> -> memref<62x128xf32, #tpu.memory_space<vmem>>
        %dma_start3A_297 = arith.constant 128 : i32
        %dma_start3A_298 = tpu.memref_slice %arg7[%dma_start3A_297] : memref<200xi32, #tpu.memory_space<vmem>> -> memref<62xi32, #tpu.memory_space<vmem>>
        %dma_start3A_299 = arith.constant 0 : i32
        %dma_start3A_300 = arith.constant 0 : i32
        %dma_start3A_301 = tpu.memref_slice %arg3[%dma_start3A_299, %dma_start3A_300] : memref<100000x128xf32, #tpu.memory_space<hbm>> -> memref<100000x128xf32, #tpu.memory_space<hbm>>
        tpu.enqueue_indirect_dma source(%dma_start3A_301 : memref<100000x128xf32, #tpu.memory_space<hbm>>) target(%dma_start3A_296 : memref<62x128xf32, #tpu.memory_space<vmem>>) offsets(%dma_start3A_298 : memref<62xi32, #tpu.memory_space<vmem>>) semaphore(%arg10 : memref<!tpu.dma_semaphore, #tpu.memory_space<semaphore_mem>>)
        %dma_wait3A_302 = arith.constant 10 : i32
        %dma_wait3A_303 = arith.constant 0 : i32
        %dma_wait3A_304 = tpu.memref_slice %arg9[%dma_wait3A_302, %dma_wait3A_303] : memref<210x128xf32, #tpu.memory_space<vmem>> -> memref<128x128xf32, #tpu.memory_space<vmem>>
        %dma_wait3A_305 = arith.constant 0 : i32
        %dma_wait3A_306 = tpu.memref_slice %arg7[%dma_wait3A_305] : memref<200xi32, #tpu.memory_space<vmem>> -> memref<128xi32, #tpu.memory_space<vmem>>
        %dma_wait3A_307 = arith.constant 0 : i32
        %dma_wait3A_308 = arith.constant 0 : i32
        %dma_wait3A_309 = tpu.memref_slice %arg3[%dma_wait3A_307, %dma_wait3A_308] : memref<100000x128xf32, #tpu.memory_space<hbm>> -> memref<100000x128xf32, #tpu.memory_space<hbm>>
        tpu.wait_indirect_dma semaphore(%arg10 : memref<!tpu.dma_semaphore, #tpu.memory_space<semaphore_mem>>) src(%dma_wait3A_309 : memref<100000x128xf32, #tpu.memory_space<hbm>>) dst(%dma_wait3A_304 : memref<128x128xf32, #tpu.memory_space<vmem>>)
        %dma_wait3A_310 = arith.constant 138 : i32
        %dma_wait3A_311 = arith.constant 0 : i32
        %dma_wait3A_312 = tpu.memref_slice %arg9[%dma_wait3A_310, %dma_wait3A_311] : memref<210x128xf32, #tpu.memory_space<vmem>> -> memref<62x128xf32, #tpu.memory_space<vmem>>
        %dma_wait3A_313 = arith.constant 128 : i32
        %dma_wait3A_314 = tpu.memref_slice %arg7[%dma_wait3A_313] : memref<200xi32, #tpu.memory_space<vmem>> -> memref<62xi32, #tpu.memory_space<vmem>>
        %dma_wait3A_315 = arith.constant 0 : i32
        %dma_wait3A_316 = arith.constant 0 : i32
        %dma_wait3A_317 = tpu.memref_slice %arg3[%dma_wait3A_315, %dma_wait3A_316] : memref<100000x128xf32, #tpu.memory_space<hbm>> -> memref<100000x128xf32, #tpu.memory_space<hbm>>
        tpu.wait_indirect_dma semaphore(%arg10 : memref<!tpu.dma_semaphore, #tpu.memory_space<semaphore_mem>>) src(%dma_wait3A_317 : memref<100000x128xf32, #tpu.memory_space<hbm>>) dst(%dma_wait3A_312 : memref<62x128xf32, #tpu.memory_space<vmem>>)
        %dma_start3A_318 = arith.constant 0 : i32
        %dma_start3A_319 = arith.constant 0 : i32
        %dma_start3A_320 = tpu.memref_slice %arg9[%dma_start3A_318, %dma_start3A_319] : memref<210x128xf32, #tpu.memory_space<vmem>> -> memref<200x128xf32, #tpu.memory_space<vmem>>
        %dma_start3A_321 = arith.constant 0 : i32
        %dma_start3A_322 = tpu.memref_slice %arg5[%mul3A_225, %dma_start3A_321] : memref<204600x128xf32, #tpu.memory_space<hbm>> -> memref<200x128xf32, #tpu.memory_space<hbm>>
        %dma_start3A_323 = arith.constant 0 : i32
        %dma_start3A_324 = tpu.memref_slice %arg5[%mul3A_225, %dma_start3A_323] : memref<204600x128xf32, #tpu.memory_space<hbm>> -> memref<200x128xf32, #tpu.memory_space<hbm>>
        %dma_start3A_325 = arith.constant 0 : i32
        %dma_start3A_326 = arith.constant 0 : i32
        %dma_start3A_327 = tpu.memref_slice %arg9[%dma_start3A_325, %dma_start3A_326] : memref<210x128xf32, #tpu.memory_space<vmem>> -> memref<200x128xf32, #tpu.memory_space<vmem>>
        tpu.enqueue_dma source(%dma_start3A_327 : memref<200x128xf32, #tpu.memory_space<vmem>>) target(%dma_start3A_324 : memref<200x128xf32, #tpu.memory_space<hbm>>) target_semaphore(%arg12 : memref<!tpu.dma_semaphore, #tpu.memory_space<semaphore_mem>>)
      } else {
      }
      %scan3A_285 = arith.constant 0 : i32
      scf.yield %scan3A_285 : i32
    }
    %scan3A_99 = arith.constant 15 : i32
    %add3A_100 = arith.constant 1024 : i32
    %add3A_101 = arith.addi %add3A, %add3A_100 : i32
    %lt3A_102 = arith.constant 1023 : i32
    %lt3A_103 = arith.cmpi slt, %add3A_101, %lt3A_102 : i32
    %select_n3A_104 = arith.select %lt3A_103, %add3A_101, %add3A : i32
    %mul3A_105 = arith.constant 200 : i32
    %mul3A_106 = arith.muli %select_n3A_104, %mul3A_105 : i32
    %dma_wait3A_107 = tpu.memref_slice %arg2[%mul3A_106] : memref<204600xi32, #tpu.memory_space<hbm>> -> memref<200xi32, #tpu.memory_space<hbm>>
    %dma_wait3A_108 = tpu.memref_slice %arg2[%mul3A_106] : memref<204600xi32, #tpu.memory_space<hbm>> -> memref<200xi32, #tpu.memory_space<hbm>>
    tpu.wait_dma2 semaphore(%arg13 : memref<!tpu.dma_semaphore, #tpu.memory_space<semaphore_mem>>) src(%dma_wait3A_108 : memref<200xi32, #tpu.memory_space<hbm>>) dst(%arg6 : memref<200xi32, #tpu.memory_space<vmem>>)
    %add3A_109 = arith.constant 0 : i32
    %add3A_110 = arith.addi %add3A, %add3A_109 : i32
    %lt3A_111 = arith.constant 1023 : i32
    %lt3A_112 = arith.cmpi slt, %add3A_110, %lt3A_111 : i32
    %select_n3A_113 = arith.select %lt3A_112, %add3A_110, %add3A : i32
    %mul3A_114 = arith.constant 200 : i32
    %mul3A_115 = arith.muli %select_n3A_113, %mul3A_114 : i32
    %dma_wait3A_116 = arith.constant 0 : i32
    %dma_wait3A_117 = arith.constant 0 : i32
    %dma_wait3A_118 = tpu.memref_slice %arg8[%dma_wait3A_116, %dma_wait3A_117] : memref<210x128xf32, #tpu.memory_space<vmem>> -> memref<200x128xf32, #tpu.memory_space<vmem>>
    %dma_wait3A_119 = arith.constant 0 : i32
    %dma_wait3A_120 = tpu.memref_slice %arg5[%mul3A_115, %dma_wait3A_119] : memref<204600x128xf32, #tpu.memory_space<hbm>> -> memref<200x128xf32, #tpu.memory_space<hbm>>
    %dma_wait3A_121 = arith.constant 0 : i32
    %dma_wait3A_122 = tpu.memref_slice %arg5[%mul3A_115, %dma_wait3A_121] : memref<204600x128xf32, #tpu.memory_space<hbm>> -> memref<200x128xf32, #tpu.memory_space<hbm>>
    %dma_wait3A_123 = arith.constant 0 : i32
    %dma_wait3A_124 = arith.constant 0 : i32
    %dma_wait3A_125 = tpu.memref_slice %arg8[%dma_wait3A_123, %dma_wait3A_124] : memref<210x128xf32, #tpu.memory_space<vmem>> -> memref<200x128xf32, #tpu.memory_space<vmem>>
    tpu.wait_dma2 semaphore(%arg11 : memref<!tpu.dma_semaphore, #tpu.memory_space<semaphore_mem>>) src(%dma_wait3A_125 : memref<200x128xf32, #tpu.memory_space<vmem>>) dst(%dma_wait3A_122 : memref<200x128xf32, #tpu.memory_space<hbm>>)
    %add3A_126 = arith.constant 0 : i32
    %add3A_127 = arith.addi %add3A, %add3A_126 : i32
    %lt3A_128 = arith.constant 1023 : i32
    %lt3A_129 = arith.cmpi slt, %add3A_127, %lt3A_128 : i32
    %select_n3A_130 = arith.select %lt3A_129, %add3A_127, %add3A : i32
    %mul3A_131 = arith.constant 200 : i32
    %mul3A_132 = arith.muli %select_n3A_130, %mul3A_131 : i32
    %dma_wait3A_133 = arith.constant 0 : i32
    %dma_wait3A_134 = arith.constant 0 : i32
    %dma_wait3A_135 = tpu.memref_slice %arg9[%dma_wait3A_133, %dma_wait3A_134] : memref<210x128xf32, #tpu.memory_space<vmem>> -> memref<200x128xf32, #tpu.memory_space<vmem>>
    %dma_wait3A_136 = arith.constant 0 : i32
    %dma_wait3A_137 = tpu.memref_slice %arg5[%mul3A_132, %dma_wait3A_136] : memref<204600x128xf32, #tpu.memory_space<hbm>> -> memref<200x128xf32, #tpu.memory_space<hbm>>
    %dma_wait3A_138 = arith.constant 0 : i32
    %dma_wait3A_139 = tpu.memref_slice %arg5[%mul3A_132, %dma_wait3A_138] : memref<204600x128xf32, #tpu.memory_space<hbm>> -> memref<200x128xf32, #tpu.memory_space<hbm>>
    %dma_wait3A_140 = arith.constant 0 : i32
    %dma_wait3A_141 = arith.constant 0 : i32
    %dma_wait3A_142 = tpu.memref_slice %arg9[%dma_wait3A_140, %dma_wait3A_141] : memref<210x128xf32, #tpu.memory_space<vmem>> -> memref<200x128xf32, #tpu.memory_space<vmem>>
    tpu.wait_dma2 semaphore(%arg12 : memref<!tpu.dma_semaphore, #tpu.memory_space<semaphore_mem>>) src(%dma_wait3A_142 : memref<200x128xf32, #tpu.memory_space<vmem>>) dst(%dma_wait3A_139 : memref<200x128xf32, #tpu.memory_space<hbm>>)
    return
  }
}

</mosaic_0001>

<sc_bundles>
// kernel: kernel.3.cloned.1.call-start
scs
__scs_entry_jumppad:
0x0: {  	(pc) =	sbr.rel $0x88, $3  }
0x1: {  	(tag) =	ssettag $0x0;
	lr =	simm.s32 $0x1  }
0x2: {  	[smem:$0x3F9D] =	sst lr;
	_ =	strace $0xD0000000  }
0x3: {  	_ = 	snop  }
0x4: {  	_ = 	snop  }
0x5: {  	_ = 	snop  }
0x6: {  	_ = 	snop  }
0x7: {  	_ = 	snop  }
__scs_overlays_trampoline_lowered:
0x8: {  	[smem:$0x3FAC] =	sst s0  }
0x9: {  	[smem:$0x3FAD] =	sst s1  }
0xa: {  	[smem:$0x3FAE] =	sst s2  }
0xb: {  	[smem:$0x3FAF] =	sst s3  }
0xc: {  	[smem:$0x3FB0] =	sst s4  }
0xd: {  	[smem:$0x3FB1] =	sst s5  }
0xe: {  	[smem:$0x3FB2] =	sst s6  }
0xf: {  	[smem:$0x3FB3] =	sst s7  }
0x10: {  	[smem:$0x3FB4] =	sst s8  }
0x11: {  	[smem:$0x3FB5] =	sst s9;
	s0 =	simm.s32 @!p0 $0x0  }
0x12: {  	s1 =	sld [smem:$0x3F9B];
	s0 =	simm.s32 @p0 $0x1  }
0x13: {  	[smem:$0x3FB6] =	sst s0;
	s0 =	simm.s32 @!p1 $0x0  }
0x14: {  	s2 =	sld [smem:$0x3F9A];
	s0 =	simm.s32 @p1 $0x1  }
0x15: {  	[smem:$0x3FB7] =	sst s0;
	s0 =	simm.s32 @!p2 $0x0  }
0x16: {  	s3 =	sld [smem:$0x3FDB];
	s0 =	simm.s32 @p2 $0x1  }
0x17: {  	s4 =	simm.s32 $0x1BF5;
	[smem:$0x3FB9] =	sst s0  }
0x18: {  	s0 =	sld [smem:$0x3F9C];
	_ =	swait.ge [sflag:s4], $0x0  }
0x19: {  	s7 =	sld [smem:$0x3F9D]  }
0x1a: {  	s8 =	sadd.s32 $0xFFFFE003, lr  }
0x1b: {  	s9 =	sadd.s32 $0xFFFFFEF7, lr;
	s5 =	simm.s32 $0xFFFFFFFF;
	p2 =	slt.u32 s8, $0xFFFFF086  }
0x1c: {  	p1 =	slt.u32 s9, $0xF7A;
	s5 =	simm.s32 @!p2 $0x0  }
0x1d: {  	s5 =	simm.s32 @p1 $0x1;
	p0 =	seq.s32 s7, s2  }
0x1e: {  	s7 =	smul.u32 @!p0 $0xF7A, s2;
	p2 =	seq.s32 @!p0 s5, $0x0  }
0x1f: {  	s9 =	smul.u32 $0xF7A, s1;
	s8 =	simm.s32 @!p0 $0x1BF5;
	p2 =	por !p2, p0  }
0x20: {  	[sflag:s8] =	ssyncset.s32 @!p0 $0xFFFFF086;
	s6 =	sadd.s32 @!p0 s3, s7;
	s7 =	simm.s32 @!p0 $0x108  }
0x21: {  	s3 =	sadd.s32 s3, s9;
	s6 =	sadd.s32 @!p0 $0x88, s6;
	s7 =	simm.s32 @p2 $0x1082  }
0x22: {  	[simem:s7], [sflag:s8] =	dma.local @!p0 [hbm:s6], $0xF7A  }
0x23: {  	s9 =	sor.u32 $0xD0000000, s2;
	s6 =	simm.s32 $0x108;
	_ =	swait.ge @!p0 [sflag:s8], $0x0  }
0x24: {  	s3 =	sadd.s32 $0x88, s3;
	s6 =	simm.s32 @!p1 $0x1082;
	[sflag:s4] =	ssyncset.s32 $0xFFFFF086  }
0x25: {  	[simem:s6], [sflag:s4] =	dma.local [hbm:s3], $0xF7A  }
0x26: {  	[smem:$0x3F9D] =	sst s1;
	(tag) =	ssettag s2;
	_ =	strace s9  }
0x27: {  	s1 =	sld [smem:$0x3FAD]  }
0x28: {  	s2 =	sld [smem:$0x3FAE]  }
0x29: {  	s4 =	sld [smem:$0x3FB0]  }
0x2a: {  	p0 =	seq.s32 s5, $0x0;
	s5 =	sld [smem:$0x3FB1]  }
0x2b: {  	s6 =	sld [smem:$0x3FB2]  }
0x2c: {  	s7 =	sld [smem:$0x3FB3]  }
0x2d: {  	s3 =	simm.s32 $0x108;
	s8 =	sld [smem:$0x3FB4]  }
0x2e: {  	s3 =	simm.s32 @!p0 $0x1082;
	s9 =	sld [smem:$0x3FB5]  }
0x2f: {  	lr =	sadd.s32 s0, s3;
	s0 =	sld [smem:$0x3FAC]  }
0x30: {  	s3 =	sld [smem:$0x3FAF]  }
0x31: {  	[smem:$0x3FB8] =	sst s10  }
0x32: {  	s10 =	sld [smem:$0x3FB6];
	_ =	sdelay $0x3  }
0x33: {  	p0 =	seq.s32 s10, $0x1;
	s10 =	sld [smem:$0x3FB8];
	_ =	sdelay $0x3  }
0x34: {  	[smem:$0x3FB8] =	sst s10  }
0x35: {  	s10 =	sld [smem:$0x3FB7];
	_ =	sdelay $0x3  }
0x36: {  	p1 =	seq.s32 s10, $0x1;
	s10 =	sld [smem:$0x3FB8];
	_ =	sdelay $0x3  }
0x37: {  	[smem:$0x3FB8] =	sst s10  }
0x38: {  	s10 =	sld [smem:$0x3FB9]  }
0x39: {  	_ = 	snop;
	(pc) =	sbr.ind lr, $3  }
0x3a: {  	_ = 	snop  }
0x3b: {  	_ = 	snop  }
0x3c: {  	p2 =	seq.s32 s10, $0x1;
	s10 =	sld [smem:$0x3FB8]  }
0x3d: {  	_ =	shalt  }
0x3e: {  	_ =	shalt  }
0x3f: {  	_ =	shalt  }
0x40: {  	_ =	shalt  }
0x41: {  	_ =	shalt  }
0x42: {  	_ =	shalt  }
0x43: {  	_ =	shalt  }
0x44: {  	_ =	shalt  }
0x45: {  	_ =	shalt  }
0x46: {  	_ =	shalt  }
0x47: {  	_ =	shalt  }
0x48: {  	_ =	shalt  }
0x49: {  	_ =	shalt  }
0x4a: {  	_ =	shalt  }
0x4b: {  	_ =	shalt  }
0x4c: {  	_ =	shalt  }
0x4d: {  	_ =	shalt  }
0x4e: {  	_ =	shalt  }
0x4f: {  	_ =	shalt  }
0x50: {  	_ =	shalt  }
0x51: {  	_ =	shalt  }
0x52: {  	_ =	shalt  }
0x53: {  	_ =	shalt  }
0x54: {  	_ =	shalt  }
0x55: {  	_ =	shalt  }
0x56: {  	_ =	shalt  }
0x57: {  	_ =	shalt  }
0x58: {  	_ =	shalt  }
0x59: {  	_ =	shalt  }
0x5a: {  	_ =	shalt  }
0x5b: {  	_ =	shalt  }
0x5c: {  	_ =	shalt  }
0x5d: {  	_ =	shalt  }
0x5e: {  	_ =	shalt  }
0x5f: {  	_ =	shalt  }
0x60: {  	_ =	shalt  }
0x61: {  	_ =	shalt  }
0x62: {  	_ =	shalt  }
0x63: {  	_ =	shalt  }
0x64: {  	_ =	shalt  }
0x65: {  	_ =	shalt  }
0x66: {  	_ =	shalt  }
0x67: {  	_ =	shalt  }
0x68: {  	_ =	shalt  }
0x69: {  	_ =	shalt  }
0x6a: {  	_ =	shalt  }
0x6b: {  	_ =	shalt  }
0x6c: {  	_ =	shalt  }
0x6d: {  	_ =	shalt  }
0x6e: {  	_ =	shalt  }
0x6f: {  	_ =	shalt  }
0x70: {  	_ =	shalt  }
0x71: {  	_ =	shalt  }
0x72: {  	_ =	shalt  }
0x73: {  	_ =	shalt  }
0x74: {  	_ =	shalt  }
0x75: {  	_ =	shalt  }
0x76: {  	_ =	shalt  }
0x77: {  	_ =	shalt  }
0x78: {  	_ =	shalt  }
0x79: {  	_ =	shalt  }
0x7a: {  	_ =	shalt  }
0x7b: {  	_ =	shalt  }
0x7c: {  	_ =	shalt  }
0x7d: {  	_ =	shalt  }
0x7e: {  	_ =	shalt  }
0x7f: {  	_ =	shalt  }
0x80: {  	_ =	shalt  }
0x81: {  	_ =	shalt  }
0x82: {  	_ =	shalt  }
0x83: {  	_ =	shalt  }
0x84: {  	_ =	shalt  }
0x85: {  	_ =	shalt  }
0x86: {  	_ =	shalt  }
0x87: {  	_ =	shalt  }
.Lfunc_end0:
.L_simem_size_0:
called_computation_lowered:
.L_overlay_start_0:
0x88: {  	s2 =	sld [smem:$0x3FD9]  }
0x89: {  	s3 =	sld [smem:$0x3FFE];
	_ =	sdelay $0x1  }
0x8a: {  	s1 =	srdreg.scid  }
0x8b: {  	s0 =	sand.u32 $0x1, s1  }
0x8c: {  	s17 =	sshll.u32 s0, $0xA;
	s2 =	sadd.s32 s3, s2  }
0x8d: {  	s2 =	sadd.s32 s2, s17  }
0x8e: {  	[smem:$0x3FC4] =	sst s2  }
0x8f: {  	_ = 	snop  }
0x90: {  	s2 =	sld [smem:$0x3FC8]  }
0x91: {  	s18 =	sld [smem:$0x3FD0];
	(tm) =	ssettm $0x1  }
0x92: {  	s4 =	sld [smem:$0x3FFB];
	_ =	sdelay $0x3  }
0x93: {  	_ =	strace s4  }
0x94: {  	s4 =	sld [smem:$0x3FFC];
	_ =	sdelay $0x3  }
0x95: {  	_ =	strace s4  }
0x96: {  	s4 =	sld [smem:$0x3FFD];
	_ =	sdelay $0x3  }
0x97: {  	_ =	strace s4  }
0x98: {  	_ =	strace $0x8FFFFFFF  }
0x99: {  	s19 =	sld [smem:$0x3FDB];
	_ =	sdelay $0x1  }
0x9a: {  	s5 =	simm.s32 $_scs_section_size  }
0x9b: {  	s6 =	simm.s32 $_size__tile_overlayer_lowered;
	s7 =	simm.s32 $_tile_overlayer_lowered  }
0x9c: {  	s22 =	simm.s32 $0x1BFF;
	s21 =	sshll.u32 s7, $0x1;
	s4 =	sadd.s32 s5, s19  }
0x9d: {  	s8 =	simm.s32 $0x0;
	s20 =	sshll.u32 s6, $0x1;
	s6 =	sadd.s32 s21, s4  }
0x9e: {  	[timem:s8], [sflag:s22] =	dma.local [hbm:s6], s20  }
0x9f: {  	_ =	swait.ge [sflag:s22], s20  }
0xa0: {  	s5 =	ssub.s32 $0x0, s20;
	[sflag:s22] =	ssyncset.done $0x0  }
0xa1: {  	[sflag:s22] =	ssyncadd.s32 s5;
	_ =	sdelay $0x1  }
0xa2: {  	s23 =	simm.s32 $0x1B8B  }
0xa3: {  	_ =	swait.ge [sflag:s23], $0x1  }
0xa4: {  	[sflag:s23] =	ssyncset.done $0x0  }
0xa5: {  	s25 =	simm.s32 $0x1B8E;
	s24 =	sld [smem:$0x3FFE];
	[sflag:s23] =	ssyncadd.s32 $0xFFFFFFFF  }
0xa6: {  	s26 =	simm.s32 $execute0_lowered;
	[smem:$0x3FD2] =	sst s25  }
0xa7: {  	s6 =	sshll.u32 s26, $0x1;
	_ =	strace $0x80000046;
	[dreg:$0x1] =	wrdreg $0xFFFFFFFF  }
0xa8: {  	s28 =	simm.s32 $_size_execute0_lowered;
	s4 =	sadd.s32 s4, s6;
	[dreg:$0x0] =	wrdreg $0x0  }
0xa9: {  	s6 =	sshll.u32 s28, $0x1;
	[dreg:$0x2] =	wrdreg s4  }
0xaa: {  	[dreg:$0x3] =	wrdreg s6  }
0xab: {  	[dreg:$0x4] =	wrdreg $0xC0  }
0xac: {  	_ =	task [dreg:s8], $0x5FFFF  }
0xad: {  	[dreg:$0x1] =	wrdreg $0xFFFFFFFF  }
0xae: {  	[dreg:$0x0] =	wrdreg $0x60  }
0xaf: {  	[dreg:$0x2] =	wrdreg s24  }
0xb0: {  	[dreg:$0x3] =	wrdreg s2  }
0xb1: {  	[dreg:$0x4] =	wrdreg s18  }
0xb2: {  	[dreg:$0x5] =	wrdreg $0x9  }
0xb3: {  	_ =	task.clear_ibuf [dreg:s8], $0x6FFFF;
	_ =	strace $0x90000046  }
0xb4: {  	s29 =	simm.s32 $0x9;
	_ =	strace $0x80000048  }
0xb5: {  	_ =	swait.ge [sflag:s29], $0x1  }
0xb6: {  	[sflag:s29] =	ssyncadd.s32 $0xFFFFFFFF  }
0xb7: {  	_ =	strace $0x90000048  }
0xb8: {  	_ =	sfence  }
0xb9: {  	s30 =	sld [smem:$0x0];
	_ =	sdelay $0x2  }
0xba: {  	s31 =	sshll.u32 s1, $0xD;
	s1 =	sshrl.u32 s1, $0x2  }
0xbb: {  	s3 =	sand.u32 $0x4000, s31;
	s1 =	sadd.s32 s1, s30  }
0xbc: {  	s0 =	sor.u32 s3, s0;
	s1 =	sshll.u32 s1, $0x11  }
0xbd: {  	s0 =	sor.u32 s1, s0  }
0xbe: {  	s0 =	sadd.s32 $0x8F2B, s0  }
0xbf: {  	[sflag:s0] =	ssyncadd.remote.s32 $0x1  }
0xc0: {  	_ =	sfence.sel $0xFFFF  }
0xc1: {  	[dreg:$0x0] =	wrdreg $0xFFFFFFFF;
	(pc) =	sbr.abs _section_cstart, $3  }
0xc2: {  	[dreg:$0x1] =	wrdreg $0xFFFFFFFF  }
0xc3: {  	_ =	task.clear_ibuf [dreg:s8], $0x2FFFF;
	_ =	strace $0x9FFFFFFF  }
0xc4: {  	(tm) =	ssettm $0x7FFFFFFF  }
0xc5: {  	_ =	shalt  }
tec
execute0_lowered:
.L_overlay_start_1:
0x0: {  	(tag) =	ssettag $0x1  }
0x1: {  	s0 =	rddreg [dreg:$0x0]  }
0x2: {  	s2 =	rddreg [dreg:$0x1]  }
0x3: {  	s1 =	srdreg.scid;
	s15 =	stileid.u32  }
0x4: {  	s3 =	rddreg [dreg:$0x2];
	s5 =	simm.s32 $0x0;
	s16 =	simm.s32 $0x4  }
0x5: {  	s17 =	simm.s32 $0x100;
	s18 =	simm.s32 $0x80;
	s19 =	simm.s32 $0x700  }
0x6: {  	s20 =	simm.s32 $0x48;
	s21 =	simm.s32 $0x4700;
	s22 =	simm.s32 $0x1  }
0x7: {  	s23 =	simm.s32 $0x5;
	s28 =	simm.s32 $0x2;
	s29 =	simm.s32 $0x200  }
0x8: {  	s1 =	sand.u32 $0x1, s1;
	s4 =	sshll.u32 s15, $0x1;
	s24 =	smul.u32 $0x1900, s15  }
0x9: {  	s11 =	sor.u32 s1, s4;
	s12 =	ssub.s32 $0x2, s1;
	s1 =	smul.u32 $0xC80, s1  }
0xa: {  	s30 =	simm.s32 $0x6;
	s31 =	simm.s32 $0x3E;
	s4 =	smul.u32 $0x19, s11  }
0xb: {  	[smem:$0x7FF] =	sst s5;
	s6 =	sadd.s32 $0x400, s0;
	s10 =	smul.u32 $0xC80, s11  }
0xc: {  	s7 =	sadd.s32 $0x6800, s0;
	s8 =	sor.u32 $0x20, s11;
	s13 =	smul.u32 $0xC8, s11  }
0xd: {  	_ =	strace $0x80000047;
	s14 =	sshrl.u32 s12, $0x1;
	s9 =	smul.u32 $0x19, s8  }
0xe: {  	s8 =	smul.u32 $0xC80, s8;
	s12 =	ssub.s32 s12, s14;
	s4 =	sadd.s32 s6, s4  }
0xf: {  	s25 =	sshrl.u32 s13, $0x3;
	s10 =	sadd.s32 s3, s10;
	s13 =	sadd.s32 $0x6900, s0  }
0x10: {  	s26 =	smax.u32 s12, $0x1;
	s0 =	simm.s32 $0x6E00;
	[dreg:$0x4] =	wrdreg s4  }
0x11: {  	s9 =	sadd.s32 s6, s9;
	[dreg:$0x6] =	wrdreg s10;
	s4 =	sadd.s32 s24, s3  }
.Ltmp0:
0x12: {  	s8 =	sadd.s32 s3, s8;
	[dreg:$0x9] =	wrdreg s26;
	(pc) =	sbr.rel .LBB2_1-.Ltmp0, $4  }
0x13: {  	s24 =	simm.s32 $0x7300;
	s26 =	simm.s32 $0xB300;
	[dreg:$0x5] =	wrdreg s9  }
0x14: {  	s9 =	sadd.s32 s6, s25;
	[dreg:$0x8] =	wrdreg s8;
	s1 =	sadd.s32 s1, s4  }
0x15: {  	s25 =	simm.s32 $0x180;
	s8 =	simm.s32 $0x0;
	s9 =	sadd.s32 $0x640, s9  }
0x16: {  	[dreg:$0x7] =	wrdreg s9;
	s9 =	sadd.s32 $0x32000, s1;
	s1 =	simm.s32 $0x3  }
.LBB2_19:
0x17: {  	_ =	swait.ge [sflag:s16], $0xC8  }
0x18: {  	[sflag:s16] =	ssyncset.done $0x0  }
0x19: {  	[sflag:s16] =	ssyncadd.s32 $0xFFFFFF38  }
0x1a: {  	_ =	swait.ge [sflag:s28], $0x6400  }
0x1b: {  	[sflag:s28] =	ssyncset.done $0x0  }
0x1c: {  	[sflag:s28] =	ssyncadd.s32 $0xFFFF9C00  }
0x1d: {  	_ =	swait.ge [sflag:s1], $0x6400  }
0x1e: {  	s8 =	sadd.s32 $0x1, s8;
	s4 =	rddreg [dreg:$0x9]  }
0x1f: {  	p0 =	sne.s32 s8, s4  }
.Ltmp1:
0x20: {  	_ = 	snop;
	(pc) =	sbr.rel @!p0 .LBB2_20-.Ltmp1, $3  }
0x21: {  	_ =	sdelay $0x1  }
0x22: {  	[sflag:s1] =	ssyncset.done $0x0  }
0x23: {  	[sflag:s1] =	ssyncadd.s32 $0xFFFF9C00  }
.LBB2_1:
0x24: {  	s4 =	rddreg [dreg:$0x4]  }
0x25: {  	[tilespmem:s5], [sflag:$0x4] =	stream.linear.gather [hbm4b:s4+s5], $0xC8, $0x38;
	[tilespmem:$0xDA00] =	vst v63  }
0x26: {  	_ =	swait.ge [sflag:s16], $0xC8  }
0x27: {  	[sflag:s16] =	ssyncset.done $0x0  }
0x28: {  	s10 =	rddreg [dreg:$0x5];
	[sflag:s16] =	ssyncadd.s32 $0xFFFFFF38  }
0x29: {  	[tilespmem:s17], [sflag:$0x5] =	stream.linear.gather [hbm4b:s10+s5], $0xC8, $0x38;
	[tilespmem:$0xDA00] =	vst v63  }
0x2a: {  	_ = 	snop  }
0x2b: {  	[tilespmem:s19], [sflag:$0x1] =	stream.indirect.gather [hbm4b:s2+s18], $0x80, s5, s18, $0xb8;
	[tilespmem:$0xDA00] =	vst v63  }
0x2c: {  	_ = 	snop  }
0x2d: {  	[tilespmem:s21], [sflag:$0x1] =	stream.indirect.gather [hbm4b:s2+s20], $0x80, s18, s20, $0xb8;
	[tilespmem:$0xDA00] =	vst v63  }
0x2e: {  	_ =	swait.ge [sflag:s22], $0x4000  }
0x2f: {  	[sflag:s22] =	ssyncset.done $0x0  }
0x30: {  	[sflag:s22] =	ssyncadd.s32 $0xFFFFC000  }
0x31: {  	_ =	swait.ge [sflag:s22], $0x2400  }
0x32: {  	[sflag:s22] =	ssyncset.done $0x0  }
0x33: {  	s12 =	rddreg [dreg:$0x6];
	[sflag:s22] =	ssyncadd.s32 $0xFFFFDC00  }
0x34: {  	[hbm4b:s12+s5] =	stream.linear.scatter [tilespmem:s19], [sflag:$0x2], $0x6400, $0x38;
	[tilespmem:$0xDA00] =	vst v63  }
0x35: {  	_ =	swait.ge [sflag:s23], $0xC8  }
0x36: {  	[sflag:s23] =	ssyncset.done $0x0  }
0x37: {  	s14 =	rddreg [dreg:$0x7];
	[sflag:s23] =	ssyncadd.s32 $0xFFFFFF38  }
0x38: {  	[tilespmem:s5], [sflag:$0x4] =	stream.linear.gather [hbm4b:s14+s5], $0xC8, $0x38;
	[tilespmem:$0xDA00] =	vst v63  }
0x39: {  	_ = 	snop  }
0x3a: {  	[tilespmem:s24], [sflag:$0x1] =	stream.indirect.gather [hbm4b:s2+s18], $0x80, s17, s18, $0xb8;
	[tilespmem:$0xDA00] =	vst v63  }
0x3b: {  	_ = 	snop  }
0x3c: {  	[tilespmem:s26], [sflag:$0x1] =	stream.indirect.gather [hbm4b:s2+s20], $0x80, s25, s20, $0xb8;
	[tilespmem:$0xDA00] =	vst v63  }
0x3d: {  	_ =	swait.ge [sflag:s22], $0x4000  }
0x3e: {  	[sflag:s22] =	ssyncset.done $0x0  }
0x3f: {  	[sflag:s22] =	ssyncadd.s32 $0xFFFFC000  }
.Ltmp2:
0x40: {  	_ =	swait.ge [sflag:s22], $0x2400;
	(pc) =	sbr.rel .LBB2_2-.Ltmp2, $4  }
0x41: {  	[sflag:s22] =	ssyncset.done $0x0  }
0x42: {  	s15 =	rddreg [dreg:$0x8];
	[sflag:s22] =	ssyncadd.s32 $0xFFFFDC00  }
0x43: {  	[hbm4b:s15+s5] =	stream.linear.scatter [tilespmem:s24], [sflag:$0x3], $0x6400, $0x38;
	[tilespmem:$0xDA00] =	vst v63  }
0x44: {  	s10 =	simm.s32 $0x0;
	s15 =	smov.u32 s9  }
.LBB2_17:
0x45: {  	s12 =	simm.s32 $0x7300  }
0x46: {  	[tilespmem:s12], [sflag:$0x1] =	stream.indirect.gather [hbm4b:s2+s18], $0x80, s17, s18, $0xb8;
	[tilespmem:$0xDA00] =	vst v63  }
0x47: {  	_ = 	snop  }
0x48: {  	[tilespmem:s26], [sflag:$0x1] =	stream.indirect.gather [hbm4b:s2+s20], $0x80, s25, s20, $0xb8;
	[tilespmem:$0xDA00] =	vst v63  }
0x49: {  	_ =	swait.ge [sflag:s22], $0x4000  }
0x4a: {  	[sflag:s22] =	ssyncset.done $0x0  }
0x4b: {  	[sflag:s22] =	ssyncadd.s32 $0xFFFFC000  }
0x4c: {  	_ =	swait.ge [sflag:s22], $0x2400  }
0x4d: {  	[sflag:s22] =	ssyncset.done $0x0  }
0x4e: {  	[sflag:s22] =	ssyncadd.s32 $0xFFFFDC00  }
.LBB2_18:
0x4f: {  	s10 =	sadd.s32 $0x40, s10  }
0x50: {  	p0 =	sne.s32 s10, $0x3C0  }
.Ltmp3:
0x51: {  	_ = 	snop;
	(pc) =	sbr.rel @!p0 .LBB2_19-.Ltmp3, $3  }
0x52: {  	s4 =	smul.u32 $0xC80, s4;
	_ =	sdelay $0x1  }
0x53: {  	s15 =	sadd.s32 $0x32000, s15;
	s4 =	sadd.s32 s3, s4  }
0x54: {  	[hbm4b:s4+s5] =	stream.linear.scatter [tilespmem:s12], [sflag:$0x3], $0x6400, $0x38;
	[tilespmem:$0xDA00] =	vst v63  }
.LBB2_2:
0x55: {  	s12 =	sadd.s32 s10, s11  }
0x56: {  	s14 =	sadd.s32 $0x60, s12  }
0x57: {  	s4 =	smov.u32 s11;
	p0 =	slt.u32 s14, $0x3FF  }
0x58: {  	s4 =	smov.u32 @p0 s14  }
0x59: {  	_ =	swait.ge [sflag:s16], $0xC8;
	s14 =	smul.u32 $0x19, s4  }
0x5a: {  	[sflag:s16] =	ssyncset.done $0x0  }
0x5b: {  	[sflag:s16] =	ssyncadd.s32 $0xFFFFFF38;
	s14 =	sadd.s32 s6, s14  }
0x5c: {  	[tilespmem:s17], [sflag:$0x5] =	stream.linear.gather [hbm4b:s14+s5], $0xC8, $0x38;
	[tilespmem:$0xDA00] =	vst v63  }
0x5d: {  	s14 =	sadd.s32 $0xFFFFFEEB, s12  }
0x5e: {  	p0 =	sgt.u32 s14, $0x3F  }
.Ltmp4:
0x5f: {  	_ = 	snop;
	(pc) =	sbr.rel @p0 .LBB2_4-.Ltmp4, $4  }
0x60: {  	_ = 	snop  }
0x61: {  	_ =	swait.ge [sflag:s28], $0x6400  }
0x62: {  	[sflag:s28] =	ssyncset.done $0x0  }
0x63: {  	[sflag:s28] =	ssyncadd.s32 $0xFFFF9C00  }
.Ltmp5:
0x64: {  	(pc) =	sbr.rel .LBB2_6-.Ltmp5, $2  }
0x65: {  	_ =	sdelay $0x2  }
0x66: {  	[tilespmem:s29], [sflag:$0x6] =	stream.linear.gather [hbm4b:s7+s5], $0x800, $0x38;
	[tilespmem:$0xDA00] =	vst v63  }
.LBB2_4:
0x67: {  	s14 =	sadd.s32 $0xFFFFFD96, s12  }
0x68: {  	p0 =	sgt.u32 s14, $0x3F  }
.Ltmp6:
0x69: {  	_ = 	snop;
	(pc) =	sbr.rel @p0 .LBB2_8-.Ltmp6, $1  }
0x6a: {  	_ =	sdelay $0x3  }
0x6b: {  	[tilespmem:s29], [sflag:$0x6] =	stream.linear.gather [hbm4b:s13+s5], $0x800, $0x38;
	[tilespmem:$0xDA00] =	vst v63  }
.LBB2_6:
0x6c: {  	_ =	swait.ge [sflag:s30], $0x800  }
0x6d: {  	[sflag:s30] =	ssyncset.done $0x0  }
0x6e: {  	[sflag:s30] =	ssyncadd.s32 $0xFFFFF800  }
.LBB2_7:
0x6f: {  	[tilespmem:s19], [sflag:$0x1] =	stream.indirect.gather [hbm4b:s2+s18], $0x80, s5, s18, $0xb8;
	[tilespmem:$0xDA00] =	vst v63  }
0x70: {  	_ = 	snop  }
0x71: {  	[tilespmem:s21], [sflag:$0x1] =	stream.indirect.gather [hbm4b:s2+s31], $0x80, s18, s31, $0xb8;
	[tilespmem:$0xDA00] =	vst v63  }
0x72: {  	_ =	swait.ge [sflag:s22], $0x4000  }
0x73: {  	[sflag:s22] =	ssyncset.done $0x0  }
0x74: {  	[sflag:s22] =	ssyncadd.s32 $0xFFFFC000  }
0x75: {  	_ =	swait.ge [sflag:s22], $0x1F00  }
0x76: {  	[sflag:s22] =	ssyncset.done $0x0  }
0x77: {  	s14 =	simm.s32 $0x200;
	[sflag:s22] =	ssyncadd.s32 $0xFFFFE100  }
.LBB2_10:
0x78: {  	[hbm4b:s15+s5] =	stream.linear.scatter [tilespmem:s14], [sflag:$0x2], $0x6400, $0x38;
	[tilespmem:$0xDA00] =	vst v63  }
0x79: {  	s12 =	sadd.s32 $0x80, s12  }
0x7a: {  	s14 =	smov.u32 s11;
	p0 =	slt.u32 s12, $0x3FF  }
0x7b: {  	s14 =	smov.u32 @p0 s12  }
0x7c: {  	_ =	swait.ge [sflag:s23], $0xC8;
	s12 =	smul.u32 $0x19, s14;
	s14 =	sadd.s32 $0xFFFFFEAB, s4  }
0x7d: {  	[sflag:s23] =	ssyncset.done $0x0;
	p0 =	sgt.u32 s14, $0x3F  }
.Ltmp7:
0x7e: {  	[sflag:s23] =	ssyncadd.s32 $0xFFFFFF38;
	s12 =	sadd.s32 s6, s12;
	(pc) =	sbr.rel @p0 .LBB2_12-.Ltmp7, $4  }
0x7f: {  	[tilespmem:s5], [sflag:$0x4] =	stream.linear.gather [hbm4b:s12+s5], $0xC8, $0x38;
	[tilespmem:$0xDA00] =	vst v63  }
0x80: {  	_ =	swait.ge [sflag:s1], $0x6400  }
0x81: {  	[sflag:s1] =	ssyncset.done $0x0  }
0x82: {  	[sflag:s1] =	ssyncadd.s32 $0xFFFF9C00  }
.Ltmp8:
0x83: {  	(pc) =	sbr.rel .LBB2_14-.Ltmp8, $2  }
0x84: {  	_ =	sdelay $0x2  }
0x85: {  	[tilespmem:s0], [sflag:$0x6] =	stream.linear.gather [hbm4b:s7+s5], $0x800, $0x38;
	[tilespmem:$0xDA00] =	vst v63  }
.LBB2_12:
0x86: {  	s12 =	sadd.s32 $0xFFFFFD56, s4  }
0x87: {  	p0 =	sgt.u32 s12, $0x3F  }
.Ltmp9:
0x88: {  	_ = 	snop;
	(pc) =	sbr.rel @p0 .LBB2_16-.Ltmp9, $1  }
0x89: {  	_ =	sdelay $0x3  }
0x8a: {  	[tilespmem:s0], [sflag:$0x6] =	stream.linear.gather [hbm4b:s13+s5], $0x800, $0x38;
	[tilespmem:$0xDA00] =	vst v63  }
.LBB2_14:
0x8b: {  	_ =	swait.ge [sflag:s30], $0x800  }
0x8c: {  	[sflag:s30] =	ssyncset.done $0x0  }
0x8d: {  	[sflag:s30] =	ssyncadd.s32 $0xFFFFF800  }
.LBB2_15:
0x8e: {  	[tilespmem:s24], [sflag:$0x1] =	stream.indirect.gather [hbm4b:s2+s18], $0x80, s17, s18, $0xb8;
	[tilespmem:$0xDA00] =	vst v63  }
0x8f: {  	_ = 	snop  }
0x90: {  	[tilespmem:s26], [sflag:$0x1] =	stream.indirect.gather [hbm4b:s2+s31], $0x80, s25, s31, $0xb8;
	[tilespmem:$0xDA00] =	vst v63  }
0x91: {  	_ =	swait.ge [sflag:s22], $0x4000  }
.Ltmp10:
0x92: {  	[sflag:s22] =	ssyncset.done $0x0;
	(pc) =	sbr.rel .LBB2_18-.Ltmp10, $4  }
0x93: {  	[sflag:s22] =	ssyncadd.s32 $0xFFFFC000  }
0x94: {  	_ =	swait.ge [sflag:s22], $0x1F00  }
0x95: {  	[sflag:s22] =	ssyncset.done $0x0  }
0x96: {  	s12 =	simm.s32 $0x6E00;
	[sflag:s22] =	ssyncadd.s32 $0xFFFFE100  }
.LBB2_8:
0x97: {  	s14 =	sadd.s32 $0x40, s12  }
0x98: {  	p0 =	sgt.u32 s14, $0x154  }
.Ltmp11:
0x99: {  	_ = 	snop;
	(pc) =	sbr.rel @p0 .LBB2_7-.Ltmp11, $1  }
0x9a: {  	_ =	sdelay $0x3  }
0x9b: {  	s14 =	simm.s32 $0x700  }
0x9c: {  	[tilespmem:s14], [sflag:$0x1] =	stream.indirect.gather [hbm4b:s2+s18], $0x80, s5, s18, $0xb8;
	[tilespmem:$0xDA00] =	vst v63  }
0x9d: {  	_ = 	snop  }
0x9e: {  	[tilespmem:s21], [sflag:$0x1] =	stream.indirect.gather [hbm4b:s2+s20], $0x80, s18, s20, $0xb8;
	[tilespmem:$0xDA00] =	vst v63  }
0x9f: {  	_ =	swait.ge [sflag:s22], $0x4000  }
.Ltmp12:
0xa0: {  	[sflag:s22] =	ssyncset.done $0x0;
	(pc) =	sbr.rel .LBB2_10-.Ltmp12, $4  }
0xa1: {  	[sflag:s22] =	ssyncadd.s32 $0xFFFFC000  }
0xa2: {  	_ =	swait.ge [sflag:s22], $0x2400  }
0xa3: {  	[sflag:s22] =	ssyncset.done $0x0  }
0xa4: {  	[sflag:s22] =	ssyncadd.s32 $0xFFFFDC00  }
.LBB2_16:
0xa5: {  	p0 =	sgt.u32 s4, $0x154  }
.Ltmp13:
0xa6: {  	_ = 	snop;
	(pc) =	sbr.rel @p0 .LBB2_15-.Ltmp13, $4  }
.Ltmp14:
0xa7: {  	_ = 	snop;
	(pc) =	sbr.rel @!p0 .LBB2_17-.Ltmp14, $4  }
0xa8: {  	_ = 	snop  }
0xa9: {  	_ = 	snop  }
0xaa: {  	_ = 	snop  }
0xab: {  	_ = 	snop  }
.LBB2_20:
0xac: {  	_ =	sfence.sel $0x180000  }
0xad: {  	[bflag:$0x0] =	sbarrier.arrive $0xFFFF  }
0xae: {  	_ =	strace $0x90000047  }
0xaf: {  	s0 =	stileid.u32;
	[bflag:$0x2] =	sbarrier.arrive $0xFFFF  }
0xb0: {  	p0 =	sne.s32 s0, $0x0;
	s0 =	rddreg [dreg:$0x3]  }
0xb1: {  	s0 =	sadd.s32 @!p0 $0x100000, s0  }
0xb2: {  	[sflag:s0] =	ssyncadd.tile.s32 @!p0 $0x1;
	_ =	shalt  }
.Lfunc_end2:
_tile_overlayer_lowered:
.L_overlay_start_2:
0xb3: {  	(tag) =	ssettag $0x2  }
0xb4: {  	s0 =	rddreg [dreg:$0x0];
	s2 =	stileid.u32  }
0xb5: {  	s1 =	rddreg [dreg:$0x1];
	p0 =	sne.s32 s2, $0x0  }
0xb6: {  	s3 =	rddreg [dreg:$0x2];
	[bflag:$0x3] =	sbarrier.arrive $0xFFFF;
	s2 =	simm.s32 @!p0 $0x1C06  }
0xb7: {  	[timem:s3], [sflag:s2] =	dma.local @!p0 [hbm:s0], s1  }
0xb8: {  	s0 =	simm.s32 @!p0 $0x6  }
0xb9: {  	_ =	swait.ge @!p0 [sflag:s0], s1  }
0xba: {  	s1 =	ssub.s32 @!p0 $0x0, s1;
	[sflag:s0] =	ssyncset.done @!p0 $0x0  }
0xbb: {  	[sflag:s0] =	ssyncadd.s32 @!p0 s1  }
0xbc: {  	[bflag:$0x3] =	sbarrier.arrive $0xFFFF  }
0xbd: {  	_ =	shalt  }

</sc_bundles>
